<compile_context>
chip_gen: v7x
topology: tpu7x:2x2x1
jax: 0.10.2.dev20260603
libtpu: 0.0.44.dev20260713+nightly
codegen_flags: <defaults>
</compile_context>

<pallas_src>
import functools

import jax
import jax.numpy as jnp
from jax import lax
from jax.experimental import pallas as pl
from jax.experimental.pallas import tpu as pltpu
from jax.experimental.pallas import tpu_sc as plsc

SPATIAL_SCALE = 224.0
L = 16


def _floor_f32(x):
    t = x.astype(jnp.int32)
    tf = t.astype(jnp.float32)
    return jnp.where(x < tf, t - 1, t)


def _make_sc_kernel(N, C, H, W, R, OH, OW):
    NW = 32
    assert R % NW == 0 and C % 128 == 0
    rois_per_w = R // NW
    npts = OH * OW
    nchunks = -(-npts // L)
    nscat = C // 128
    NSUB = C // 128

    mesh = plsc.VectorSubcoreMesh(core_axis_name="c", subcore_axis_name="s",
                                  num_cores=2, num_subcores=16)

    @functools.partial(
        pl.kernel,
        mesh=mesh,
        out_type=jax.ShapeDtypeStruct((R * C, npts), jnp.float32),
        compiler_params=pltpu.CompilerParams(use_tc_tiling_on_sc=False,
                                             needs_layout_passes=False),
        scratch_types=[
            pltpu.VMEM((R, 5), jnp.float32),
            pltpu.VMEM((4, L), jnp.int32),
            pltpu.VMEM((4, L), jnp.float32),
            pltpu.VMEM((6 * L,), jnp.int32),
            pltpu.VMEM((6 * L,), jnp.int32),
            pltpu.VMEM((12 * L, 128), jnp.float32),
            pltpu.VMEM((C, npts), jnp.float32),
            pltpu.VMEM((nscat, 128), jnp.int32),
            pltpu.SemaphoreType.DMA,
            pltpu.SemaphoreType.DMA,
        ],
    )
    def sc_kernel(tbl_hbm, rois_hbm, out_hbm, rois_v, ci, cf, idx_a, idx_b,
                  taps_v, obuf, sidx, gsem, osem):
        wid = lax.axis_index("s") * 2 + lax.axis_index("c")
        pltpu.sync_copy(rois_hbm, rois_v)

        iota_i = lax.iota(jnp.int32, L)
        iota_f = iota_i.astype(jnp.float32)

        def bcast_roi(r, col):
            return plsc.load_gather(rois_v, [jnp.full((L,), r, jnp.int32),
                                             jnp.full((L,), col, jnp.int32)])

        def axis_coords(lo, hi, extent, out_extent):
            ext_f = float(extent)
            g = iota_f * (1.0 / (out_extent - 1.0))
            b = (hi - lo) / float(out_extent)
            f = lo + (g + 0.5) * b
            nf = f / (ext_f - 1.0) * 2.0 - 1.0
            pix = ((nf + 1.0) * ext_f - 1.0) * 0.5
            p0 = _floor_f32(pix)
            frac = pix - p0.astype(jnp.float32)
            v0 = (p0 >= 0) & (p0 <= extent - 1)
            v1 = (p0 + 1 >= 0) & (p0 + 1 <= extent - 1)
            w0 = jnp.where(v0, 1.0 - frac, 0.0)
            w1 = jnp.where(v1, frac, 0.0)
            c0 = jnp.clip(p0, 0, extent - 1)
            c1 = jnp.clip(p0 + 1, 0, extent - 1)
            return c0, c1, w0, w1

        def do_chunk(bvec, s_lo):
            sv = s_lo + iota_i
            jv = lax.div(sv, jnp.full((L,), OW, jnp.int32))
            iv = sv - jv * OW
            xc0 = plsc.load_gather(ci, [jnp.full((L,), 0, jnp.int32), iv])
            xc1 = plsc.load_gather(ci, [jnp.full((L,), 1, jnp.int32), iv])
            yc0 = plsc.load_gather(ci, [jnp.full((L,), 2, jnp.int32), jv])
            yc1 = plsc.load_gather(ci, [jnp.full((L,), 3, jnp.int32), jv])
            wx0 = plsc.load_gather(cf, [jnp.full((L,), 0, jnp.int32), iv])
            wx1 = plsc.load_gather(cf, [jnp.full((L,), 1, jnp.int32), iv])
            wy0 = plsc.load_gather(cf, [jnp.full((L,), 2, jnp.int32), jv])
            wy1 = plsc.load_gather(cf, [jnp.full((L,), 3, jnp.int32), jv])
            row0 = bvec + yc0 * W
            row1 = bvec + yc1 * W
            taps = (row0 + xc0, row0 + xc1, row1 + xc0, row1 + xc1)
            for q in range(4):
                for j in range(NSUB):
                    slot = q * NSUB * L + j * L
                    tgt, off = (idx_a, slot) if slot < 6 * L else \
                               (idx_b, slot - 6 * L)
                    tgt[pl.ds(off, L)] = taps[q] * NSUB + j
            w00 = wx0 * wy0
            w01 = wx1 * wy0
            w10 = wx0 * wy1
            w11 = wx1 * wy1
            d1 = pltpu.async_copy(tbl_hbm.at[idx_a],
                                  taps_v.at[pl.ds(0, 6 * L)], gsem)
            d2 = pltpu.async_copy(tbl_hbm.at[idx_b],
                                  taps_v.at[pl.ds(6 * L, 6 * L)], gsem)
            d1.wait()
            d2.wait()

            @plsc.parallel_loop(0, C, step=4, unroll=2)
            def mac_body(k):
                for u in range(4):
                    c = k + u
                    j = lax.div(c, jnp.int32(128))
                    col = c - j * 128
                    cvec = jnp.full((L,), col, jnp.int32)
                    jrow = iota_i + j * L
                    a00 = plsc.load_gather(taps_v, [jrow, cvec])
                    a01 = plsc.load_gather(taps_v, [jrow + NSUB * L, cvec])
                    a10 = plsc.load_gather(taps_v, [jrow + 2 * NSUB * L, cvec])
                    a11 = plsc.load_gather(taps_v, [jrow + 3 * NSUB * L, cvec])
                    acc = w00 * a00 + w01 * a01 + w10 * a10 + w11 * a11
                    obuf[c, pl.ds(s_lo, L)] = acc

        def roi_body(r_local, _):
            r_glob = wid * rois_per_w + r_local
            b = bcast_roi(r_glob, 0).astype(jnp.int32)
            b = jnp.clip(b, 0, N - 1)
            bvec = b * (H * W)
            x1 = bcast_roi(r_glob, 1) * SPATIAL_SCALE
            y1 = bcast_roi(r_glob, 2) * SPATIAL_SCALE
            x2 = bcast_roi(r_glob, 3) * SPATIAL_SCALE
            y2 = bcast_roi(r_glob, 4) * SPATIAL_SCALE
            xc0, xc1, wx0, wx1 = axis_coords(x1, x2, W, OW)
            yc0, yc1, wy0, wy1 = axis_coords(y1, y2, H, OH)
            ci[0, :] = xc0
            ci[1, :] = xc1
            ci[2, :] = yc0
            ci[3, :] = yc1
            cf[0, :] = wx0
            cf[1, :] = wx1
            cf[2, :] = wy0
            cf[3, :] = wy1

            def chunk_body(cs, _):
                do_chunk(bvec, jnp.minimum(cs * L, npts - L))
                return _

            lax.fori_loop(0, nchunks, chunk_body, 0)

            rowbase = r_glob * C
            for k in range(nscat):
                for u in range(128 // L):
                    sidx[k, pl.ds(u * L, L)] = rowbase + k * 128 + u * L + iota_i
            for k in range(nscat):
                pltpu.async_copy(obuf.at[pl.ds(k * 128, 128)],
                                 out_hbm.at[sidx.at[k]], osem).wait()
            return _

        lax.fori_loop(0, rois_per_w, roi_body, 0)

    return sc_kernel


def kernel(input_feature_map, rois, output_height, output_width):
    N, C, H, W = input_feature_map.shape
    R = rois.shape[0]
    try:
        OH = int(output_height)
    except Exception:
        OH = 14
    try:
        OW = int(output_width)
    except Exception:
        OW = 14
    tbl = jnp.transpose(input_feature_map, (0, 2, 3, 1))
    tbl = tbl.reshape(N * H * W * (C // 128), 128)
    sc = _make_sc_kernel(N, C, H, W, R, OH, OW)
    out = sc(tbl, rois)
    return out.reshape(R, C, OH, OW)

# --- scband reference (transcript-rebuilt; emitter-appended) ---
"""Pipeline reference for scband-dynamic-ro-ialign-36713380446409 (READ-ONLY COPY).

The authoritative reference and input builder live on the scoring server;
editing this copy changes nothing except your own understanding.
"""

import jax, jax.numpy as jnp
import numpy as np

SPATIAL_SCALE = 224.0
ALIGNED = False


def setup_inputs(seed: int = 0):
    key = jax.random.key(seed)
    k1, k2 = jax.random.split(key)
    input_feature_map = jax.random.normal(k1, (2, 384, 224, 224), dtype=jnp.float32)
    rois = jax.random.uniform(k2, (512, 5), dtype=jnp.float32)
    return {"input_feature_map": input_feature_map, "rois": rois, "output_height": 14, "output_width": 14}


def _grid_sample_bilinear(img, grid, align_corners):
    N, C, H, W = img.shape
    gx = grid[..., 0]
    gy = grid[..., 1]
    if align_corners:
        ix = (gx + 1.0) * 0.5 * (W - 1)
        iy = (gy + 1.0) * 0.5 * (H - 1)
    else:
        ix = ((gx + 1.0) * W - 1.0) * 0.5
        iy = ((gy + 1.0) * H - 1.0) * 0.5
    x0 = jnp.floor(ix)
    y0 = jnp.floor(iy)
    x1 = x0 + 1.0
    y1 = y0 + 1.0

    def gather(xi, yi):
        valid = (xi >= 0) & (xi <= W - 1) & (yi >= 0) & (yi <= H - 1)
        xc = jnp.clip(xi, 0, W - 1).astype(jnp.int32)
        yc = jnp.clip(yi, 0, H - 1).astype(jnp.int32)
        b = jnp.arange(N)[:, None, None]
        vals = img[b, :, yc, xc]  # [N, Hout, Wout, C]
        return vals * valid[..., None].astype(img.dtype)

    wa = (x1 - ix) * (y1 - iy)
    wb = (ix - x0) * (y1 - iy)
    wc = (x1 - ix) * (iy - y0)
    wd = (ix - x0) * (iy - y0)
    out = (gather(x0, y0) * wa[..., None]
           + gather(x1, y0) * wb[..., None]
           + gather(x0, y1) * wc[..., None]
           + gather(x1, y1) * wd[..., None])
    return jnp.transpose(out, (0, 3, 1, 2))


def reference(input_feature_map, rois, output_height, output_width):
    num_rois = rois.shape[0]
    out_h_static = 14
    out_w_static = 14
    batch_indices = rois[:, 0].astype(jnp.int32)
    boxes = rois[:, 1:] * SPATIAL_SCALE
    x1 = boxes[:, 0]
    y1 = boxes[:, 1]
    x2 = boxes[:, 2]
    y2 = boxes[:, 3]
    roi_width = x2 - x1
    roi_height = y2 - y1
    x_coords = jnp.linspace(0.0, 1.0, out_w_static)
    y_coords = jnp.linspace(0.0, 1.0, out_h_static)
    grid_y, grid_x = jnp.meshgrid(y_coords, x_coords, indexing='ij')
    gx = jnp.broadcast_to(grid_x[None], (num_rois, out_h_static, out_w_static))
    gy = jnp.broadcast_to(grid_y[None], (num_rois, out_h_static, out_w_static))
    bw = (roi_width / output_width)[:, None, None]
    bh = (roi_height / output_height)[:, None, None]
    fx = x1[:, None, None] + (gx + 0.5) * bw
    fy = y1[:, None, None] + (gy + 0.5) * bh
    H_feat, W_feat = input_feature_map.shape[2], input_feature_map.shape[3]
    nfx = fx / (W_feat - 1) * 2.0 - 1.0
    nfy = fy / (H_feat - 1) * 2.0 - 1.0
    grids = jnp.stack([nfx, nfy], axis=-1)
    selected = jnp.take(input_feature_map, batch_indices, axis=0)
    return _grid_sample_bilinear(selected, grids, ALIGNED)

if __name__ == "__main__":
    import jax
    _d = setup_inputs()
    print(jax.jit(kernel)(*tuple(_d.values())))

</pallas_src>

<mosaic_0001>
#map = affine_map<(d0, d1) -> (0, 0)>
module attributes {stable_mosaic.version = 14 : i64} {
  func.func @sc_kernel(%arg0: i32, %arg1: i32, %arg2: memref<301056x128xf32, #tpu.memory_space<hbm>>, %arg3: memref<512x5xf32, #tpu.memory_space<hbm>>, %arg4: memref<196608x196xf32, #tpu.memory_space<hbm>>, %arg5: memref<512x5xf32, #tpu.memory_space<vmem>>, %arg6: memref<4x16xi32, #tpu.memory_space<vmem>>, %arg7: memref<4x16xf32, #tpu.memory_space<vmem>>, %arg8: memref<96xi32, #tpu.memory_space<vmem>>, %arg9: memref<96xi32, #tpu.memory_space<vmem>>, %arg10: memref<192x128xf32, #tpu.memory_space<vmem>>, %arg11: memref<384x196xf32, #tpu.memory_space<vmem>>, %arg12: memref<3x128xi32, #tpu.memory_space<vmem>>, %arg13: memref<!tpu.dma_semaphore, #tpu.memory_space<semaphore_mem>>, %arg14: memref<!tpu.dma_semaphore, #tpu.memory_space<semaphore_mem>>) attributes {dimension_semantics = [#tpu.dimension_semantics<core_parallel>, #tpu.dimension_semantics<subcore_parallel>], iteration_bounds = array<i64: 2, 16>, scalar_prefetch = 0 : i64, scratch_operands = 10 : i64, tpu.core_type = #tpu.core_type<sc_vector_subcore>, window_params = [{transform_indices = #map}, {transform_indices = #map}, {transform_indices = #map}]} {
    %mul3A = arith.constant 2 : i32
    %mul3A_0 = arith.muli %arg1, %mul3A : i32
    %add3A = arith.addi %mul3A_0, %arg0 : i32
    "tpu.region"() ({
      %run_scoped3A = tpu.sem_alloc : memref<!tpu.dma_semaphore, #tpu.memory_space<semaphore_mem>>
      tpu.enqueue_dma source(%arg3 : memref<512x5xf32, #tpu.memory_space<hbm>>) target(%arg5 : memref<512x5xf32, #tpu.memory_space<vmem>>) target_semaphore(%run_scoped3A : memref<!tpu.dma_semaphore, #tpu.memory_space<semaphore_mem>>)
      tpu.wait_dma2 semaphore(%run_scoped3A : memref<!tpu.dma_semaphore, #tpu.memory_space<semaphore_mem>>) src(%arg3 : memref<512x5xf32, #tpu.memory_space<hbm>>) dst(%arg5 : memref<512x5xf32, #tpu.memory_space<vmem>>)
      tpu.yield
    }) : () -> ()
    %iota3A = tpu.iota {dimensions = array<i32: 0>} : vector<16xi32>
    %convert_element_type3A = arith.sitofp %iota3A : vector<16xi32> to vector<16xf32>
    %scan3A = arith.constant 0 : i32
    %scan3A_1 = arith.constant 0 : i32
    %scan3A_2 = arith.constant 16 : i32
    %scan3A_3 = arith.addi %scan3A_1, %scan3A_2 : i32
    %scan3A_4 = arith.constant 1 : i32
    scf.for %scan3A_6 = %scan3A_1 to %scan3A_3 step %scan3A_4  : i32 {
      %mul3A_7 = arith.constant 16 : i32
      %mul3A_8 = arith.muli %add3A, %mul3A_7 : i32
      %add3A_9 = arith.addi %mul3A_8, %scan3A_6 : i32
      %broadcast_in_dim3A = vector.broadcast %add3A_9 : i32 to vector<16xi32>
      %broadcast_in_dim3A_10 = arith.constant 0 : i32
      %broadcast_in_dim3A_11 = vector.broadcast %broadcast_in_dim3A_10 : i32 to vector<16xi32>
      %gather3A = tpu.vector_load_idx %arg5[%broadcast_in_dim3A, %broadcast_in_dim3A_11] : memref<512x5xf32, #tpu.memory_space<vmem>>[vector<16xi32>, vector<16xi32>], vector<16xf32>,
      %convert_element_type3A_12 = arith.fptosi %gather3A : vector<16xf32> to vector<16xi32>
      %jit3A = arith.constant 0 : i32
      %jit3A_13 = arith.constant 1 : i32
      %max3A = vector.broadcast %jit3A : i32 to vector<16xi32>
      %max3A_14 = arith.maxsi %max3A, %convert_element_type3A_12 : vector<16xi32>
      %min3A = vector.broadcast %jit3A_13 : i32 to vector<16xi32>
      %min3A_15 = arith.minsi %min3A, %max3A_14 : vector<16xi32>
      %mul3A_16 = arith.constant 50176 : i32
      %mul3A_17 = vector.broadcast %mul3A_16 : i32 to vector<16xi32>
      %mul3A_18 = arith.muli %min3A_15, %mul3A_17 : vector<16xi32>
      %broadcast_in_dim3A_19 = vector.broadcast %add3A_9 : i32 to vector<16xi32>
      %broadcast_in_dim3A_20 = arith.constant 1 : i32
      %broadcast_in_dim3A_21 = vector.broadcast %broadcast_in_dim3A_20 : i32 to vector<16xi32>
      %gather3A_22 = tpu.vector_load_idx %arg5[%broadcast_in_dim3A_19, %broadcast_in_dim3A_21] : memref<512x5xf32, #tpu.memory_space<vmem>>[vector<16xi32>, vector<16xi32>], vector<16xf32>,
      %mul3A_23 = arith.constant 2.240000e+02 : f32
      %mul3A_24 = vector.broadcast %mul3A_23 : f32 to vector<16xf32>
      %mul3A_25 = arith.mulf %gather3A_22, %mul3A_24 : vector<16xf32>
      %broadcast_in_dim3A_26 = vector.broadcast %add3A_9 : i32 to vector<16xi32>
      %broadcast_in_dim3A_27 = arith.constant 2 : i32
      %broadcast_in_dim3A_28 = vector.broadcast %broadcast_in_dim3A_27 : i32 to vector<16xi32>
      %gather3A_29 = tpu.vector_load_idx %arg5[%broadcast_in_dim3A_26, %broadcast_in_dim3A_28] : memref<512x5xf32, #tpu.memory_space<vmem>>[vector<16xi32>, vector<16xi32>], vector<16xf32>,
      %mul3A_30 = arith.constant 2.240000e+02 : f32
      %mul3A_31 = vector.broadcast %mul3A_30 : f32 to vector<16xf32>
      %mul3A_32 = arith.mulf %gather3A_29, %mul3A_31 : vector<16xf32>
      %broadcast_in_dim3A_33 = vector.broadcast %add3A_9 : i32 to vector<16xi32>
      %broadcast_in_dim3A_34 = arith.constant 3 : i32
      %broadcast_in_dim3A_35 = vector.broadcast %broadcast_in_dim3A_34 : i32 to vector<16xi32>
      %gather3A_36 = tpu.vector_load_idx %arg5[%broadcast_in_dim3A_33, %broadcast_in_dim3A_35] : memref<512x5xf32, #tpu.memory_space<vmem>>[vector<16xi32>, vector<16xi32>], vector<16xf32>,
      %mul3A_37 = arith.constant 2.240000e+02 : f32
      %mul3A_38 = vector.broadcast %mul3A_37 : f32 to vector<16xf32>
      %mul3A_39 = arith.mulf %gather3A_36, %mul3A_38 : vector<16xf32>
      %broadcast_in_dim3A_40 = vector.broadcast %add3A_9 : i32 to vector<16xi32>
      %broadcast_in_dim3A_41 = arith.constant 4 : i32
      %broadcast_in_dim3A_42 = vector.broadcast %broadcast_in_dim3A_41 : i32 to vector<16xi32>
      %gather3A_43 = tpu.vector_load_idx %arg5[%broadcast_in_dim3A_40, %broadcast_in_dim3A_42] : memref<512x5xf32, #tpu.memory_space<vmem>>[vector<16xi32>, vector<16xi32>], vector<16xf32>,
      %mul3A_44 = arith.constant 2.240000e+02 : f32
      %mul3A_45 = vector.broadcast %mul3A_44 : f32 to vector<16xf32>
      %mul3A_46 = arith.mulf %gather3A_43, %mul3A_45 : vector<16xf32>
      %mul3A_47 = arith.constant 0.0769230798 : f32
      %mul3A_48 = vector.broadcast %mul3A_47 : f32 to vector<16xf32>
      %mul3A_49 = arith.mulf %convert_element_type3A, %mul3A_48 : vector<16xf32>
      %sub3A = arith.subf %mul3A_39, %mul3A_25 : vector<16xf32>
      %div3A = arith.constant 1.400000e+01 : f32
      %div3A_50 = vector.broadcast %div3A : f32 to vector<16xf32>
      %div3A_51 = arith.divf %sub3A, %div3A_50 : vector<16xf32>
      %add3A_52 = arith.constant 5.000000e-01 : f32
      %add3A_53 = vector.broadcast %add3A_52 : f32 to vector<16xf32>
      %add3A_54 = arith.addf %mul3A_49, %add3A_53 : vector<16xf32>
      %mul3A_55 = arith.mulf %add3A_54, %div3A_51 : vector<16xf32>
      %add3A_56 = arith.addf %mul3A_25, %mul3A_55 : vector<16xf32>
      %div3A_57 = arith.constant 2.230000e+02 : f32
      %div3A_58 = vector.broadcast %div3A_57 : f32 to vector<16xf32>
      %div3A_59 = arith.divf %add3A_56, %div3A_58 : vector<16xf32>
      %mul3A_60 = arith.constant 2.000000e+00 : f32
      %mul3A_61 = vector.broadcast %mul3A_60 : f32 to vector<16xf32>
      %mul3A_62 = arith.mulf %div3A_59, %mul3A_61 : vector<16xf32>
      %sub3A_63 = arith.constant 1.000000e+00 : f32
      %sub3A_64 = vector.broadcast %sub3A_63 : f32 to vector<16xf32>
      %sub3A_65 = arith.subf %mul3A_62, %sub3A_64 : vector<16xf32>
      %add3A_66 = arith.constant 1.000000e+00 : f32
      %add3A_67 = vector.broadcast %add3A_66 : f32 to vector<16xf32>
      %add3A_68 = arith.addf %sub3A_65, %add3A_67 : vector<16xf32>
      %mul3A_69 = arith.constant 2.240000e+02 : f32
      %mul3A_70 = vector.broadcast %mul3A_69 : f32 to vector<16xf32>
      %mul3A_71 = arith.mulf %add3A_68, %mul3A_70 : vector<16xf32>
      %sub3A_72 = arith.constant 1.000000e+00 : f32
      %sub3A_73 = vector.broadcast %sub3A_72 : f32 to vector<16xf32>
      %sub3A_74 = arith.subf %mul3A_71, %sub3A_73 : vector<16xf32>
      %mul3A_75 = arith.constant 5.000000e-01 : f32
      %mul3A_76 = vector.broadcast %mul3A_75 : f32 to vector<16xf32>
      %mul3A_77 = arith.mulf %sub3A_74, %mul3A_76 : vector<16xf32>
      %convert_element_type3A_78 = arith.fptosi %mul3A_77 : vector<16xf32> to vector<16xi32>
      %convert_element_type3A_79 = arith.sitofp %convert_element_type3A_78 : vector<16xi32> to vector<16xf32>
      %lt3A = arith.cmpf olt, %mul3A_77, %convert_element_type3A_79 : vector<16xf32>
      %sub3A_80 = arith.constant 1 : i32
      %sub3A_81 = vector.broadcast %sub3A_80 : i32 to vector<16xi32>
      %sub3A_82 = arith.subi %convert_element_type3A_78, %sub3A_81 : vector<16xi32>
      %select_n3A = arith.select %lt3A, %sub3A_82, %convert_element_type3A_78 : vector<16xi1>, vector<16xi32>
      %convert_element_type3A_83 = arith.sitofp %select_n3A : vector<16xi32> to vector<16xf32>
      %sub3A_84 = arith.subf %mul3A_77, %convert_element_type3A_83 : vector<16xf32>
      %ge3A = arith.constant 0 : i32
      %ge3A_85 = vector.broadcast %ge3A : i32 to vector<16xi32>
      %ge3A_86 = arith.cmpi sge, %select_n3A, %ge3A_85 : vector<16xi32>
      %le3A = arith.constant 223 : i32
      %le3A_87 = vector.broadcast %le3A : i32 to vector<16xi32>
      %le3A_88 = arith.cmpi sle, %select_n3A, %le3A_87 : vector<16xi32>
      %and3A = arith.andi %ge3A_86, %le3A_88 : vector<16xi1>
      %add3A_89 = arith.constant 1 : i32
      %add3A_90 = vector.broadcast %add3A_89 : i32 to vector<16xi32>
      %add3A_91 = arith.addi %select_n3A, %add3A_90 : vector<16xi32>
      %ge3A_92 = arith.constant 0 : i32
      %ge3A_93 = vector.broadcast %ge3A_92 : i32 to vector<16xi32>
      %ge3A_94 = arith.cmpi sge, %add3A_91, %ge3A_93 : vector<16xi32>
      %add3A_95 = arith.constant 1 : i32
      %add3A_96 = vector.broadcast %add3A_95 : i32 to vector<16xi32>
      %add3A_97 = arith.addi %select_n3A, %add3A_96 : vector<16xi32>
      %le3A_98 = arith.constant 223 : i32
      %le3A_99 = vector.broadcast %le3A_98 : i32 to vector<16xi32>
      %le3A_100 = arith.cmpi sle, %add3A_97, %le3A_99 : vector<16xi32>
      %and3A_101 = arith.andi %ge3A_94, %le3A_100 : vector<16xi1>
      %sub3A_102 = arith.constant 1.000000e+00 : f32
      %sub3A_103 = vector.broadcast %sub3A_102 : f32 to vector<16xf32>
      %sub3A_104 = arith.subf %sub3A_103, %sub3A_84 : vector<16xf32>
      %jit3A_105 = arith.constant 0.000000e+00 : f32
      %broadcast_in_dim3A_106 = vector.broadcast %jit3A_105 : f32 to vector<16xf32>
      %select_n3A_107 = arith.select %and3A, %sub3A_104, %broadcast_in_dim3A_106 : vector<16xi1>, vector<16xf32>
      %jit3A_108 = arith.constant 0.000000e+00 : f32
      %broadcast_in_dim3A_109 = vector.broadcast %jit3A_108 : f32 to vector<16xf32>
      %select_n3A_110 = arith.select %and3A_101, %sub3A_84, %broadcast_in_dim3A_109 : vector<16xi1>, vector<16xf32>
      %jit3A_111 = arith.constant 0 : i32
      %jit3A_112 = arith.constant 223 : i32
      %max3A_113 = vector.broadcast %jit3A_111 : i32 to vector<16xi32>
      %max3A_114 = arith.maxsi %max3A_113, %select_n3A : vector<16xi32>
      %min3A_115 = vector.broadcast %jit3A_112 : i32 to vector<16xi32>
      %min3A_116 = arith.minsi %min3A_115, %max3A_114 : vector<16xi32>
      %add3A_117 = arith.constant 1 : i32
      %add3A_118 = vector.broadcast %add3A_117 : i32 to vector<16xi32>
      %add3A_119 = arith.addi %select_n3A, %add3A_118 : vector<16xi32>
      %jit3A_120 = arith.constant 0 : i32
      %jit3A_121 = arith.constant 223 : i32
      %max3A_122 = vector.broadcast %jit3A_120 : i32 to vector<16xi32>
      %max3A_123 = arith.maxsi %max3A_122, %add3A_119 : vector<16xi32>
      %min3A_124 = vector.broadcast %jit3A_121 : i32 to vector<16xi32>
      %min3A_125 = arith.minsi %min3A_124, %max3A_123 : vector<16xi32>
      %mul3A_126 = arith.constant 0.0769230798 : f32
      %mul3A_127 = vector.broadcast %mul3A_126 : f32 to vector<16xf32>
      %mul3A_128 = arith.mulf %convert_element_type3A, %mul3A_127 : vector<16xf32>
      %sub3A_129 = arith.subf %mul3A_46, %mul3A_32 : vector<16xf32>
      %div3A_130 = arith.constant 1.400000e+01 : f32
      %div3A_131 = vector.broadcast %div3A_130 : f32 to vector<16xf32>
      %div3A_132 = arith.divf %sub3A_129, %div3A_131 : vector<16xf32>
      %add3A_133 = arith.constant 5.000000e-01 : f32
      %add3A_134 = vector.broadcast %add3A_133 : f32 to vector<16xf32>
      %add3A_135 = arith.addf %mul3A_128, %add3A_134 : vector<16xf32>
      %mul3A_136 = arith.mulf %add3A_135, %div3A_132 : vector<16xf32>
      %add3A_137 = arith.addf %mul3A_32, %mul3A_136 : vector<16xf32>
      %div3A_138 = arith.constant 2.230000e+02 : f32
      %div3A_139 = vector.broadcast %div3A_138 : f32 to vector<16xf32>
      %div3A_140 = arith.divf %add3A_137, %div3A_139 : vector<16xf32>
      %mul3A_141 = arith.constant 2.000000e+00 : f32
      %mul3A_142 = vector.broadcast %mul3A_141 : f32 to vector<16xf32>
      %mul3A_143 = arith.mulf %div3A_140, %mul3A_142 : vector<16xf32>
      %sub3A_144 = arith.constant 1.000000e+00 : f32
      %sub3A_145 = vector.broadcast %sub3A_144 : f32 to vector<16xf32>
      %sub3A_146 = arith.subf %mul3A_143, %sub3A_145 : vector<16xf32>
      %add3A_147 = arith.constant 1.000000e+00 : f32
      %add3A_148 = vector.broadcast %add3A_147 : f32 to vector<16xf32>
      %add3A_149 = arith.addf %sub3A_146, %add3A_148 : vector<16xf32>
      %mul3A_150 = arith.constant 2.240000e+02 : f32
      %mul3A_151 = vector.broadcast %mul3A_150 : f32 to vector<16xf32>
      %mul3A_152 = arith.mulf %add3A_149, %mul3A_151 : vector<16xf32>
      %sub3A_153 = arith.constant 1.000000e+00 : f32
      %sub3A_154 = vector.broadcast %sub3A_153 : f32 to vector<16xf32>
      %sub3A_155 = arith.subf %mul3A_152, %sub3A_154 : vector<16xf32>
      %mul3A_156 = arith.constant 5.000000e-01 : f32
      %mul3A_157 = vector.broadcast %mul3A_156 : f32 to vector<16xf32>
      %mul3A_158 = arith.mulf %sub3A_155, %mul3A_157 : vector<16xf32>
      %convert_element_type3A_159 = arith.fptosi %mul3A_158 : vector<16xf32> to vector<16xi32>
      %convert_element_type3A_160 = arith.sitofp %convert_element_type3A_159 : vector<16xi32> to vector<16xf32>
      %lt3A_161 = arith.cmpf olt, %mul3A_158, %convert_element_type3A_160 : vector<16xf32>
      %sub3A_162 = arith.constant 1 : i32
      %sub3A_163 = vector.broadcast %sub3A_162 : i32 to vector<16xi32>
      %sub3A_164 = arith.subi %convert_element_type3A_159, %sub3A_163 : vector<16xi32>
      %select_n3A_165 = arith.select %lt3A_161, %sub3A_164, %convert_element_type3A_159 : vector<16xi1>, vector<16xi32>
      %convert_element_type3A_166 = arith.sitofp %select_n3A_165 : vector<16xi32> to vector<16xf32>
      %sub3A_167 = arith.subf %mul3A_158, %convert_element_type3A_166 : vector<16xf32>
      %ge3A_168 = arith.constant 0 : i32
      %ge3A_169 = vector.broadcast %ge3A_168 : i32 to vector<16xi32>
      %ge3A_170 = arith.cmpi sge, %select_n3A_165, %ge3A_169 : vector<16xi32>
      %le3A_171 = arith.constant 223 : i32
      %le3A_172 = vector.broadcast %le3A_171 : i32 to vector<16xi32>
      %le3A_173 = arith.cmpi sle, %select_n3A_165, %le3A_172 : vector<16xi32>
      %and3A_174 = arith.andi %ge3A_170, %le3A_173 : vector<16xi1>
      %add3A_175 = arith.constant 1 : i32
      %add3A_176 = vector.broadcast %add3A_175 : i32 to vector<16xi32>
      %add3A_177 = arith.addi %select_n3A_165, %add3A_176 : vector<16xi32>
      %ge3A_178 = arith.constant 0 : i32
      %ge3A_179 = vector.broadcast %ge3A_178 : i32 to vector<16xi32>
      %ge3A_180 = arith.cmpi sge, %add3A_177, %ge3A_179 : vector<16xi32>
      %add3A_181 = arith.constant 1 : i32
      %add3A_182 = vector.broadcast %add3A_181 : i32 to vector<16xi32>
      %add3A_183 = arith.addi %select_n3A_165, %add3A_182 : vector<16xi32>
      %le3A_184 = arith.constant 223 : i32
      %le3A_185 = vector.broadcast %le3A_184 : i32 to vector<16xi32>
      %le3A_186 = arith.cmpi sle, %add3A_183, %le3A_185 : vector<16xi32>
      %and3A_187 = arith.andi %ge3A_180, %le3A_186 : vector<16xi1>
      %sub3A_188 = arith.constant 1.000000e+00 : f32
      %sub3A_189 = vector.broadcast %sub3A_188 : f32 to vector<16xf32>
      %sub3A_190 = arith.subf %sub3A_189, %sub3A_167 : vector<16xf32>
      %jit3A_191 = arith.constant 0.000000e+00 : f32
      %broadcast_in_dim3A_192 = vector.broadcast %jit3A_191 : f32 to vector<16xf32>
      %select_n3A_193 = arith.select %and3A_174, %sub3A_190, %broadcast_in_dim3A_192 : vector<16xi1>, vector<16xf32>
      %jit3A_194 = arith.constant 0.000000e+00 : f32
      %broadcast_in_dim3A_195 = vector.broadcast %jit3A_194 : f32 to vector<16xf32>
      %select_n3A_196 = arith.select %and3A_187, %sub3A_167, %broadcast_in_dim3A_195 : vector<16xi1>, vector<16xf32>
      %jit3A_197 = arith.constant 0 : i32
      %jit3A_198 = arith.constant 223 : i32
      %max3A_199 = vector.broadcast %jit3A_197 : i32 to vector<16xi32>
      %max3A_200 = arith.maxsi %max3A_199, %select_n3A_165 : vector<16xi32>
      %min3A_201 = vector.broadcast %jit3A_198 : i32 to vector<16xi32>
      %min3A_202 = arith.minsi %min3A_201, %max3A_200 : vector<16xi32>
      %add3A_203 = arith.constant 1 : i32
      %add3A_204 = vector.broadcast %add3A_203 : i32 to vector<16xi32>
      %add3A_205 = arith.addi %select_n3A_165, %add3A_204 : vector<16xi32>
      %jit3A_206 = arith.constant 0 : i32
      %jit3A_207 = arith.constant 223 : i32
      %max3A_208 = vector.broadcast %jit3A_206 : i32 to vector<16xi32>
      %max3A_209 = arith.maxsi %max3A_208, %add3A_205 : vector<16xi32>
      %min3A_210 = vector.broadcast %jit3A_207 : i32 to vector<16xi32>
      %min3A_211 = arith.minsi %min3A_210, %max3A_209 : vector<16xi32>
      %swap3A = arith.constant 0 : i32
      %swap3A_212 = arith.index_cast %swap3A : i32 to index
      %swap3A_213 = arith.constant 0 : index
      %swap3A_214 = tpu.vector_load %arg6[%swap3A_212, %swap3A_213] {strides = array<i32>} : memref<4x16xi32, #tpu.memory_space<vmem>>, vector<16xi32>,
      tpu.vector_store %arg6[%swap3A_212, %swap3A_213], %min3A_116 {strides = array<i32>} : memref<4x16xi32, #tpu.memory_space<vmem>>, vector<16xi32>,
      %swap3A_215 = arith.constant 1 : i32
      %swap3A_216 = arith.index_cast %swap3A_215 : i32 to index
      %swap3A_217 = arith.constant 0 : index
      %swap3A_218 = tpu.vector_load %arg6[%swap3A_216, %swap3A_217] {strides = array<i32>} : memref<4x16xi32, #tpu.memory_space<vmem>>, vector<16xi32>,
      tpu.vector_store %arg6[%swap3A_216, %swap3A_217], %min3A_125 {strides = array<i32>} : memref<4x16xi32, #tpu.memory_space<vmem>>, vector<16xi32>,
      %swap3A_219 = arith.constant 2 : i32
      %swap3A_220 = arith.index_cast %swap3A_219 : i32 to index
      %swap3A_221 = arith.constant 0 : index
      %swap3A_222 = tpu.vector_load %arg6[%swap3A_220, %swap3A_221] {strides = array<i32>} : memref<4x16xi32, #tpu.memory_space<vmem>>, vector<16xi32>,
      tpu.vector_store %arg6[%swap3A_220, %swap3A_221], %min3A_202 {strides = array<i32>} : memref<4x16xi32, #tpu.memory_space<vmem>>, vector<16xi32>,
      %swap3A_223 = arith.constant 3 : i32
      %swap3A_224 = arith.index_cast %swap3A_223 : i32 to index
      %swap3A_225 = arith.constant 0 : index
      %swap3A_226 = tpu.vector_load %arg6[%swap3A_224, %swap3A_225] {strides = array<i32>} : memref<4x16xi32, #tpu.memory_space<vmem>>, vector<16xi32>,
      tpu.vector_store %arg6[%swap3A_224, %swap3A_225], %min3A_211 {strides = array<i32>} : memref<4x16xi32, #tpu.memory_space<vmem>>, vector<16xi32>,
      %swap3A_227 = arith.constant 0 : i32
      %swap3A_228 = arith.index_cast %swap3A_227 : i32 to index
      %swap3A_229 = arith.constant 0 : index
      %swap3A_230 = tpu.vector_load %arg7[%swap3A_228, %swap3A_229] {strides = array<i32>} : memref<4x16xf32, #tpu.memory_space<vmem>>, vector<16xf32>,
      tpu.vector_store %arg7[%swap3A_228, %swap3A_229], %select_n3A_107 {strides = array<i32>} : memref<4x16xf32, #tpu.memory_space<vmem>>, vector<16xf32>,
      %swap3A_231 = arith.constant 1 : i32
      %swap3A_232 = arith.index_cast %swap3A_231 : i32 to index
      %swap3A_233 = arith.constant 0 : index
      %swap3A_234 = tpu.vector_load %arg7[%swap3A_232, %swap3A_233] {strides = array<i32>} : memref<4x16xf32, #tpu.memory_space<vmem>>, vector<16xf32>,
      tpu.vector_store %arg7[%swap3A_232, %swap3A_233], %select_n3A_110 {strides = array<i32>} : memref<4x16xf32, #tpu.memory_space<vmem>>, vector<16xf32>,
      %swap3A_235 = arith.constant 2 : i32
      %swap3A_236 = arith.index_cast %swap3A_235 : i32 to index
      %swap3A_237 = arith.constant 0 : index
      %swap3A_238 = tpu.vector_load %arg7[%swap3A_236, %swap3A_237] {strides = array<i32>} : memref<4x16xf32, #tpu.memory_space<vmem>>, vector<16xf32>,
      tpu.vector_store %arg7[%swap3A_236, %swap3A_237], %select_n3A_193 {strides = array<i32>} : memref<4x16xf32, #tpu.memory_space<vmem>>, vector<16xf32>,
      %swap3A_239 = arith.constant 3 : i32
      %swap3A_240 = arith.index_cast %swap3A_239 : i32 to index
      %swap3A_241 = arith.constant 0 : index
      %swap3A_242 = tpu.vector_load %arg7[%swap3A_240, %swap3A_241] {strides = array<i32>} : memref<4x16xf32, #tpu.memory_space<vmem>>, vector<16xf32>,
      tpu.vector_store %arg7[%swap3A_240, %swap3A_241], %select_n3A_196 {strides = array<i32>} : memref<4x16xf32, #tpu.memory_space<vmem>>, vector<16xf32>,
      %scan3A_243 = arith.constant 0 : i32
      %scan3A_244 = arith.constant 0 : i32
      %scan3A_245 = arith.constant 13 : i32
      %scan3A_246 = arith.addi %scan3A_244, %scan3A_245 : i32
      %scan3A_247 = arith.constant 1 : i32
      scf.for %scan3A_549 = %scan3A_244 to %scan3A_246 step %scan3A_247  : i32 {
        %mul3A_550 = arith.constant 16 : i32
        %mul3A_551 = arith.muli %scan3A_549, %mul3A_550 : i32
        %min3A_552 = arith.constant 180 : i32
        %min3A_553 = arith.minsi %mul3A_551, %min3A_552 : i32
        %add3A_554 = vector.broadcast %min3A_553 : i32 to vector<16xi32>
        %add3A_555 = arith.addi %add3A_554, %iota3A : vector<16xi32>
        %broadcast_in_dim3A_556 = arith.constant 14 : i32
        %broadcast_in_dim3A_557 = vector.broadcast %broadcast_in_dim3A_556 : i32 to vector<16xi32>
        %div3A_558 = arith.divsi %add3A_555, %broadcast_in_dim3A_557 : vector<16xi32>
        %mul3A_559 = arith.constant 14 : i32
        %mul3A_560 = vector.broadcast %mul3A_559 : i32 to vector<16xi32>
        %mul3A_561 = arith.muli %div3A_558, %mul3A_560 : vector<16xi32>
        %sub3A_562 = arith.subi %add3A_555, %mul3A_561 : vector<16xi32>
        %broadcast_in_dim3A_563 = arith.constant 0 : i32
        %broadcast_in_dim3A_564 = vector.broadcast %broadcast_in_dim3A_563 : i32 to vector<16xi32>
        %gather3A_565 = tpu.vector_load_idx %arg6[%broadcast_in_dim3A_564, %sub3A_562] : memref<4x16xi32, #tpu.memory_space<vmem>>[vector<16xi32>, vector<16xi32>], vector<16xi32>,
        %broadcast_in_dim3A_566 = arith.constant 1 : i32
        %broadcast_in_dim3A_567 = vector.broadcast %broadcast_in_dim3A_566 : i32 to vector<16xi32>
        %gather3A_568 = tpu.vector_load_idx %arg6[%broadcast_in_dim3A_567, %sub3A_562] : memref<4x16xi32, #tpu.memory_space<vmem>>[vector<16xi32>, vector<16xi32>], vector<16xi32>,
        %broadcast_in_dim3A_569 = arith.constant 2 : i32
        %broadcast_in_dim3A_570 = vector.broadcast %broadcast_in_dim3A_569 : i32 to vector<16xi32>
        %gather3A_571 = tpu.vector_load_idx %arg6[%broadcast_in_dim3A_570, %div3A_558] : memref<4x16xi32, #tpu.memory_space<vmem>>[vector<16xi32>, vector<16xi32>], vector<16xi32>,
        %broadcast_in_dim3A_572 = arith.constant 3 : i32
        %broadcast_in_dim3A_573 = vector.broadcast %broadcast_in_dim3A_572 : i32 to vector<16xi32>
        %gather3A_574 = tpu.vector_load_idx %arg6[%broadcast_in_dim3A_573, %div3A_558] : memref<4x16xi32, #tpu.memory_space<vmem>>[vector<16xi32>, vector<16xi32>], vector<16xi32>,
        %broadcast_in_dim3A_575 = arith.constant 0 : i32
        %broadcast_in_dim3A_576 = vector.broadcast %broadcast_in_dim3A_575 : i32 to vector<16xi32>
        %gather3A_577 = tpu.vector_load_idx %arg7[%broadcast_in_dim3A_576, %sub3A_562] : memref<4x16xf32, #tpu.memory_space<vmem>>[vector<16xi32>, vector<16xi32>], vector<16xf32>,
        %broadcast_in_dim3A_578 = arith.constant 1 : i32
        %broadcast_in_dim3A_579 = vector.broadcast %broadcast_in_dim3A_578 : i32 to vector<16xi32>
        %gather3A_580 = tpu.vector_load_idx %arg7[%broadcast_in_dim3A_579, %sub3A_562] : memref<4x16xf32, #tpu.memory_space<vmem>>[vector<16xi32>, vector<16xi32>], vector<16xf32>,
        %broadcast_in_dim3A_581 = arith.constant 2 : i32
        %broadcast_in_dim3A_582 = vector.broadcast %broadcast_in_dim3A_581 : i32 to vector<16xi32>
        %gather3A_583 = tpu.vector_load_idx %arg7[%broadcast_in_dim3A_582, %div3A_558] : memref<4x16xf32, #tpu.memory_space<vmem>>[vector<16xi32>, vector<16xi32>], vector<16xf32>,
        %broadcast_in_dim3A_584 = arith.constant 3 : i32
        %broadcast_in_dim3A_585 = vector.broadcast %broadcast_in_dim3A_584 : i32 to vector<16xi32>
        %gather3A_586 = tpu.vector_load_idx %arg7[%broadcast_in_dim3A_585, %div3A_558] : memref<4x16xf32, #tpu.memory_space<vmem>>[vector<16xi32>, vector<16xi32>], vector<16xf32>,
        %mul3A_587 = arith.constant 224 : i32
        %mul3A_588 = vector.broadcast %mul3A_587 : i32 to vector<16xi32>
        %mul3A_589 = arith.muli %gather3A_571, %mul3A_588 : vector<16xi32>
        %add3A_590 = arith.addi %mul3A_18, %mul3A_589 : vector<16xi32>
        %mul3A_591 = arith.constant 224 : i32
        %mul3A_592 = vector.broadcast %mul3A_591 : i32 to vector<16xi32>
        %mul3A_593 = arith.muli %gather3A_574, %mul3A_592 : vector<16xi32>
        %add3A_594 = arith.addi %mul3A_18, %mul3A_593 : vector<16xi32>
        %add3A_595 = arith.addi %add3A_590, %gather3A_565 : vector<16xi32>
        %add3A_596 = arith.addi %add3A_590, %gather3A_568 : vector<16xi32>
        %add3A_597 = arith.addi %add3A_594, %gather3A_565 : vector<16xi32>
        %add3A_598 = arith.addi %add3A_594, %gather3A_568 : vector<16xi32>
        %mul3A_599 = arith.constant 3 : i32
        %mul3A_600 = vector.broadcast %mul3A_599 : i32 to vector<16xi32>
        %mul3A_601 = arith.muli %add3A_595, %mul3A_600 : vector<16xi32>
        %add3A_602 = arith.constant 0 : i32
        %add3A_603 = vector.broadcast %add3A_602 : i32 to vector<16xi32>
        %add3A_604 = arith.addi %mul3A_601, %add3A_603 : vector<16xi32>
        %swap3A_605 = arith.constant 0 : index
        %swap3A_606 = tpu.vector_load %arg8[%swap3A_605] {strides = array<i32>} : memref<96xi32, #tpu.memory_space<vmem>>, vector<16xi32>,
        tpu.vector_store %arg8[%swap3A_605], %add3A_604 {strides = array<i32>} : memref<96xi32, #tpu.memory_space<vmem>>, vector<16xi32>,
        %mul3A_607 = arith.constant 3 : i32
        %mul3A_608 = vector.broadcast %mul3A_607 : i32 to vector<16xi32>
        %mul3A_609 = arith.muli %add3A_595, %mul3A_608 : vector<16xi32>
        %add3A_610 = arith.constant 1 : i32
        %add3A_611 = vector.broadcast %add3A_610 : i32 to vector<16xi32>
        %add3A_612 = arith.addi %mul3A_609, %add3A_611 : vector<16xi32>
        %swap3A_613 = arith.constant 16 : index
        %swap3A_614 = tpu.vector_load %arg8[%swap3A_613] {strides = array<i32>} : memref<96xi32, #tpu.memory_space<vmem>>, vector<16xi32>,
        tpu.vector_store %arg8[%swap3A_613], %add3A_612 {strides = array<i32>} : memref<96xi32, #tpu.memory_space<vmem>>, vector<16xi32>,
        %mul3A_615 = arith.constant 3 : i32
        %mul3A_616 = vector.broadcast %mul3A_615 : i32 to vector<16xi32>
        %mul3A_617 = arith.muli %add3A_595, %mul3A_616 : vector<16xi32>
        %add3A_618 = arith.constant 2 : i32
        %add3A_619 = vector.broadcast %add3A_618 : i32 to vector<16xi32>
        %add3A_620 = arith.addi %mul3A_617, %add3A_619 : vector<16xi32>
        %swap3A_621 = arith.constant 32 : index
        %swap3A_622 = tpu.vector_load %arg8[%swap3A_621] {strides = array<i32>} : memref<96xi32, #tpu.memory_space<vmem>>, vector<16xi32>,
        tpu.vector_store %arg8[%swap3A_621], %add3A_620 {strides = array<i32>} : memref<96xi32, #tpu.memory_space<vmem>>, vector<16xi32>,
        %mul3A_623 = arith.constant 3 : i32
        %mul3A_624 = vector.broadcast %mul3A_623 : i32 to vector<16xi32>
        %mul3A_625 = arith.muli %add3A_596, %mul3A_624 : vector<16xi32>
        %add3A_626 = arith.constant 0 : i32
        %add3A_627 = vector.broadcast %add3A_626 : i32 to vector<16xi32>
        %add3A_628 = arith.addi %mul3A_625, %add3A_627 : vector<16xi32>
        %swap3A_629 = arith.constant 48 : index
        %swap3A_630 = tpu.vector_load %arg8[%swap3A_629] {strides = array<i32>} : memref<96xi32, #tpu.memory_space<vmem>>, vector<16xi32>,
        tpu.vector_store %arg8[%swap3A_629], %add3A_628 {strides = array<i32>} : memref<96xi32, #tpu.memory_space<vmem>>, vector<16xi32>,
        %mul3A_631 = arith.constant 3 : i32
        %mul3A_632 = vector.broadcast %mul3A_631 : i32 to vector<16xi32>
        %mul3A_633 = arith.muli %add3A_596, %mul3A_632 : vector<16xi32>
        %add3A_634 = arith.constant 1 : i32
        %add3A_635 = vector.broadcast %add3A_634 : i32 to vector<16xi32>
        %add3A_636 = arith.addi %mul3A_633, %add3A_635 : vector<16xi32>
        %swap3A_637 = arith.constant 64 : index
        %swap3A_638 = tpu.vector_load %arg8[%swap3A_637] {strides = array<i32>} : memref<96xi32, #tpu.memory_space<vmem>>, vector<16xi32>,
        tpu.vector_store %arg8[%swap3A_637], %add3A_636 {strides = array<i32>} : memref<96xi32, #tpu.memory_space<vmem>>, vector<16xi32>,
        %mul3A_639 = arith.constant 3 : i32
        %mul3A_640 = vector.broadcast %mul3A_639 : i32 to vector<16xi32>
        %mul3A_641 = arith.muli %add3A_596, %mul3A_640 : vector<16xi32>
        %add3A_642 = arith.constant 2 : i32
        %add3A_643 = vector.broadcast %add3A_642 : i32 to vector<16xi32>
        %add3A_644 = arith.addi %mul3A_641, %add3A_643 : vector<16xi32>
        %swap3A_645 = arith.constant 80 : index
        %swap3A_646 = tpu.vector_load %arg8[%swap3A_645] {strides = array<i32>} : memref<96xi32, #tpu.memory_space<vmem>>, vector<16xi32>,
        tpu.vector_store %arg8[%swap3A_645], %add3A_644 {strides = array<i32>} : memref<96xi32, #tpu.memory_space<vmem>>, vector<16xi32>,
        %mul3A_647 = arith.constant 3 : i32
        %mul3A_648 = vector.broadcast %mul3A_647 : i32 to vector<16xi32>
        %mul3A_649 = arith.muli %add3A_597, %mul3A_648 : vector<16xi32>
        %add3A_650 = arith.constant 0 : i32
        %add3A_651 = vector.broadcast %add3A_650 : i32 to vector<16xi32>
        %add3A_652 = arith.addi %mul3A_649, %add3A_651 : vector<16xi32>
        %swap3A_653 = arith.constant 0 : index
        %swap3A_654 = tpu.vector_load %arg9[%swap3A_653] {strides = array<i32>} : memref<96xi32, #tpu.memory_space<vmem>>, vector<16xi32>,
        tpu.vector_store %arg9[%swap3A_653], %add3A_652 {strides = array<i32>} : memref<96xi32, #tpu.memory_space<vmem>>, vector<16xi32>,
        %mul3A_655 = arith.constant 3 : i32
        %mul3A_656 = vector.broadcast %mul3A_655 : i32 to vector<16xi32>
        %mul3A_657 = arith.muli %add3A_597, %mul3A_656 : vector<16xi32>
        %add3A_658 = arith.constant 1 : i32
        %add3A_659 = vector.broadcast %add3A_658 : i32 to vector<16xi32>
        %add3A_660 = arith.addi %mul3A_657, %add3A_659 : vector<16xi32>
        %swap3A_661 = arith.constant 16 : index
        %swap3A_662 = tpu.vector_load %arg9[%swap3A_661] {strides = array<i32>} : memref<96xi32, #tpu.memory_space<vmem>>, vector<16xi32>,
        tpu.vector_store %arg9[%swap3A_661], %add3A_660 {strides = array<i32>} : memref<96xi32, #tpu.memory_space<vmem>>, vector<16xi32>,
        %mul3A_663 = arith.constant 3 : i32
        %mul3A_664 = vector.broadcast %mul3A_663 : i32 to vector<16xi32>
        %mul3A_665 = arith.muli %add3A_597, %mul3A_664 : vector<16xi32>
        %add3A_666 = arith.constant 2 : i32
        %add3A_667 = vector.broadcast %add3A_666 : i32 to vector<16xi32>
        %add3A_668 = arith.addi %mul3A_665, %add3A_667 : vector<16xi32>
        %swap3A_669 = arith.constant 32 : index
        %swap3A_670 = tpu.vector_load %arg9[%swap3A_669] {strides = array<i32>} : memref<96xi32, #tpu.memory_space<vmem>>, vector<16xi32>,
        tpu.vector_store %arg9[%swap3A_669], %add3A_668 {strides = array<i32>} : memref<96xi32, #tpu.memory_space<vmem>>, vector<16xi32>,
        %mul3A_671 = arith.constant 3 : i32
        %mul3A_672 = vector.broadcast %mul3A_671 : i32 to vector<16xi32>
        %mul3A_673 = arith.muli %add3A_598, %mul3A_672 : vector<16xi32>
        %add3A_674 = arith.constant 0 : i32
        %add3A_675 = vector.broadcast %add3A_674 : i32 to vector<16xi32>
        %add3A_676 = arith.addi %mul3A_673, %add3A_675 : vector<16xi32>
        %swap3A_677 = arith.constant 48 : index
        %swap3A_678 = tpu.vector_load %arg9[%swap3A_677] {strides = array<i32>} : memref<96xi32, #tpu.memory_space<vmem>>, vector<16xi32>,
        tpu.vector_store %arg9[%swap3A_677], %add3A_676 {strides = array<i32>} : memref<96xi32, #tpu.memory_space<vmem>>, vector<16xi32>,
        %mul3A_679 = arith.constant 3 : i32
        %mul3A_680 = vector.broadcast %mul3A_679 : i32 to vector<16xi32>
        %mul3A_681 = arith.muli %add3A_598, %mul3A_680 : vector<16xi32>
        %add3A_682 = arith.constant 1 : i32
        %add3A_683 = vector.broadcast %add3A_682 : i32 to vector<16xi32>
        %add3A_684 = arith.addi %mul3A_681, %add3A_683 : vector<16xi32>
        %swap3A_685 = arith.constant 64 : index
        %swap3A_686 = tpu.vector_load %arg9[%swap3A_685] {strides = array<i32>} : memref<96xi32, #tpu.memory_space<vmem>>, vector<16xi32>,
        tpu.vector_store %arg9[%swap3A_685], %add3A_684 {strides = array<i32>} : memref<96xi32, #tpu.memory_space<vmem>>, vector<16xi32>,
        %mul3A_687 = arith.constant 3 : i32
        %mul3A_688 = vector.broadcast %mul3A_687 : i32 to vector<16xi32>
        %mul3A_689 = arith.muli %add3A_598, %mul3A_688 : vector<16xi32>
        %add3A_690 = arith.constant 2 : i32
        %add3A_691 = vector.broadcast %add3A_690 : i32 to vector<16xi32>
        %add3A_692 = arith.addi %mul3A_689, %add3A_691 : vector<16xi32>
        %swap3A_693 = arith.constant 80 : index
        %swap3A_694 = tpu.vector_load %arg9[%swap3A_693] {strides = array<i32>} : memref<96xi32, #tpu.memory_space<vmem>>, vector<16xi32>,
        tpu.vector_store %arg9[%swap3A_693], %add3A_692 {strides = array<i32>} : memref<96xi32, #tpu.memory_space<vmem>>, vector<16xi32>,
        %mul3A_695 = arith.mulf %gather3A_577, %gather3A_583 : vector<16xf32>
        %mul3A_696 = arith.mulf %gather3A_580, %gather3A_583 : vector<16xf32>
        %mul3A_697 = arith.mulf %gather3A_577, %gather3A_586 : vector<16xf32>
        %mul3A_698 = arith.mulf %gather3A_580, %gather3A_586 : vector<16xf32>
        %dma_start3A_699 = arith.constant 0 : i32
        %dma_start3A_700 = arith.constant 0 : i32
        %dma_start3A_701 = tpu.memref_slice %arg10[%dma_start3A_699, %dma_start3A_700] : memref<192x128xf32, #tpu.memory_space<vmem>> -> memref<96x128xf32, #tpu.memory_space<vmem>>
        %dma_start3A_702 = arith.constant 0 : i32
        %dma_start3A_703 = arith.constant 0 : i32
        %dma_start3A_704 = tpu.memref_slice %arg2[%dma_start3A_702, %dma_start3A_703] : memref<301056x128xf32, #tpu.memory_space<hbm>> -> memref<301056x128xf32, #tpu.memory_space<hbm>>
        tpu.enqueue_indirect_dma source(%dma_start3A_704 : memref<301056x128xf32, #tpu.memory_space<hbm>>) target(%dma_start3A_701 : memref<96x128xf32, #tpu.memory_space<vmem>>) offsets(%arg8 : memref<96xi32, #tpu.memory_space<vmem>>) semaphore(%arg13 : memref<!tpu.dma_semaphore, #tpu.memory_space<semaphore_mem>>)
        %dma_start3A_705 = arith.constant 96 : i32
        %dma_start3A_706 = arith.constant 0 : i32
        %dma_start3A_707 = tpu.memref_slice %arg10[%dma_start3A_705, %dma_start3A_706] : memref<192x128xf32, #tpu.memory_space<vmem>> -> memref<96x128xf32, #tpu.memory_space<vmem>>
        %dma_start3A_708 = arith.constant 0 : i32
        %dma_start3A_709 = arith.constant 0 : i32
        %dma_start3A_710 = tpu.memref_slice %arg2[%dma_start3A_708, %dma_start3A_709] : memref<301056x128xf32, #tpu.memory_space<hbm>> -> memref<301056x128xf32, #tpu.memory_space<hbm>>
        tpu.enqueue_indirect_dma source(%dma_start3A_710 : memref<301056x128xf32, #tpu.memory_space<hbm>>) target(%dma_start3A_707 : memref<96x128xf32, #tpu.memory_space<vmem>>) offsets(%arg9 : memref<96xi32, #tpu.memory_space<vmem>>) semaphore(%arg13 : memref<!tpu.dma_semaphore, #tpu.memory_space<semaphore_mem>>)
        %dma_wait3A_711 = arith.constant 0 : i32
        %dma_wait3A_712 = arith.constant 0 : i32
        %dma_wait3A_713 = tpu.memref_slice %arg10[%dma_wait3A_711, %dma_wait3A_712] : memref<192x128xf32, #tpu.memory_space<vmem>> -> memref<96x128xf32, #tpu.memory_space<vmem>>
        %dma_wait3A_714 = arith.constant 0 : i32
        %dma_wait3A_715 = arith.constant 0 : i32
        %dma_wait3A_716 = tpu.memref_slice %arg2[%dma_wait3A_714, %dma_wait3A_715] : memref<301056x128xf32, #tpu.memory_space<hbm>> -> memref<301056x128xf32, #tpu.memory_space<hbm>>
        tpu.wait_indirect_dma semaphore(%arg13 : memref<!tpu.dma_semaphore, #tpu.memory_space<semaphore_mem>>) src(%dma_wait3A_716 : memref<301056x128xf32, #tpu.memory_space<hbm>>) dst(%dma_wait3A_713 : memref<96x128xf32, #tpu.memory_space<vmem>>)
        %dma_wait3A_717 = arith.constant 96 : i32
        %dma_wait3A_718 = arith.constant 0 : i32
        %dma_wait3A_719 = tpu.memref_slice %arg10[%dma_wait3A_717, %dma_wait3A_718] : memref<192x128xf32, #tpu.memory_space<vmem>> -> memref<96x128xf32, #tpu.memory_space<vmem>>
        %dma_wait3A_720 = arith.constant 0 : i32
        %dma_wait3A_721 = arith.constant 0 : i32
        %dma_wait3A_722 = tpu.memref_slice %arg2[%dma_wait3A_720, %dma_wait3A_721] : memref<301056x128xf32, #tpu.memory_space<hbm>> -> memref<301056x128xf32, #tpu.memory_space<hbm>>
        tpu.wait_indirect_dma semaphore(%arg13 : memref<!tpu.dma_semaphore, #tpu.memory_space<semaphore_mem>>) src(%dma_wait3A_722 : memref<301056x128xf32, #tpu.memory_space<hbm>>) dst(%dma_wait3A_719 : memref<96x128xf32, #tpu.memory_space<vmem>>)
        %parallel_loop3A = arith.constant 0 : i32
        %parallel_loop3A_723 = arith.constant 384 : i32
        %parallel_loop3A_724 = arith.constant 4 : i32
        scf.for %parallel_loop3A_725 = %parallel_loop3A to %parallel_loop3A_723 step %parallel_loop3A_724  : i32 {
          %parallel_loop3A_726 = arith.constant 0 : i32
          %parallel_loop3A_727 = arith.addi %parallel_loop3A_725, %parallel_loop3A_726 : i32
          %parallel_loop3A_728 = arith.constant 128 : i32
          %parallel_loop3A_729 = arith.divsi %parallel_loop3A_727, %parallel_loop3A_728 : i32
          %parallel_loop3A_730 = arith.constant 128 : i32
          %parallel_loop3A_731 = arith.muli %parallel_loop3A_729, %parallel_loop3A_730 : i32
          %parallel_loop3A_732 = arith.subi %parallel_loop3A_727, %parallel_loop3A_731 : i32
          %parallel_loop3A_733 = vector.broadcast %parallel_loop3A_732 : i32 to vector<16xi32>
          %parallel_loop3A_734 = arith.constant 16 : i32
          %parallel_loop3A_735 = arith.muli %parallel_loop3A_729, %parallel_loop3A_734 : i32
          %parallel_loop3A_736 = vector.broadcast %parallel_loop3A_735 : i32 to vector<16xi32>
          %parallel_loop3A_737 = arith.addi %iota3A, %parallel_loop3A_736 : vector<16xi32>
          %parallel_loop3A_738 = tpu.vector_load_idx %arg10[%parallel_loop3A_737, %parallel_loop3A_733] : memref<192x128xf32, #tpu.memory_space<vmem>>[vector<16xi32>, vector<16xi32>], vector<16xf32>,
          %parallel_loop3A_739 = arith.constant 48 : i32
          %parallel_loop3A_740 = vector.broadcast %parallel_loop3A_739 : i32 to vector<16xi32>
          %parallel_loop3A_741 = arith.addi %parallel_loop3A_737, %parallel_loop3A_740 : vector<16xi32>
          %parallel_loop3A_742 = tpu.vector_load_idx %arg10[%parallel_loop3A_741, %parallel_loop3A_733] : memref<192x128xf32, #tpu.memory_space<vmem>>[vector<16xi32>, vector<16xi32>], vector<16xf32>,
          %parallel_loop3A_743 = arith.constant 96 : i32
          %parallel_loop3A_744 = vector.broadcast %parallel_loop3A_743 : i32 to vector<16xi32>
          %parallel_loop3A_745 = arith.addi %parallel_loop3A_737, %parallel_loop3A_744 : vector<16xi32>
          %parallel_loop3A_746 = tpu.vector_load_idx %arg10[%parallel_loop3A_745, %parallel_loop3A_733] : memref<192x128xf32, #tpu.memory_space<vmem>>[vector<16xi32>, vector<16xi32>], vector<16xf32>,
          %parallel_loop3A_747 = arith.constant 144 : i32
          %parallel_loop3A_748 = vector.broadcast %parallel_loop3A_747 : i32 to vector<16xi32>
          %parallel_loop3A_749 = arith.addi %parallel_loop3A_737, %parallel_loop3A_748 : vector<16xi32>
          %parallel_loop3A_750 = tpu.vector_load_idx %arg10[%parallel_loop3A_749, %parallel_loop3A_733] : memref<192x128xf32, #tpu.memory_space<vmem>>[vector<16xi32>, vector<16xi32>], vector<16xf32>,
          %parallel_loop3A_751 = arith.mulf %mul3A_695, %parallel_loop3A_738 : vector<16xf32>
          %parallel_loop3A_752 = arith.mulf %mul3A_696, %parallel_loop3A_742 : vector<16xf32>
          %parallel_loop3A_753 = arith.addf %parallel_loop3A_751, %parallel_loop3A_752 : vector<16xf32>
          %parallel_loop3A_754 = arith.mulf %mul3A_697, %parallel_loop3A_746 : vector<16xf32>
          %parallel_loop3A_755 = arith.addf %parallel_loop3A_753, %parallel_loop3A_754 : vector<16xf32>
          %parallel_loop3A_756 = arith.mulf %mul3A_698, %parallel_loop3A_750 : vector<16xf32>
          %parallel_loop3A_757 = arith.addf %parallel_loop3A_755, %parallel_loop3A_756 : vector<16xf32>
          %parallel_loop3A_758 = arith.index_cast %parallel_loop3A_727 : i32 to index
          %parallel_loop3A_759 = arith.index_cast %min3A_553 : i32 to index
          %parallel_loop3A_760 = tpu.vector_load %arg11[%parallel_loop3A_758, %parallel_loop3A_759] {strides = array<i32>} : memref<384x196xf32, #tpu.memory_space<vmem>>, vector<16xf32>,
          tpu.vector_store %arg11[%parallel_loop3A_758, %parallel_loop3A_759], %parallel_loop3A_757 {strides = array<i32>} : memref<384x196xf32, #tpu.memory_space<vmem>>, vector<16xf32>,
          %parallel_loop3A_761 = arith.constant 1 : i32
          %parallel_loop3A_762 = arith.addi %parallel_loop3A_725, %parallel_loop3A_761 : i32
          %parallel_loop3A_763 = arith.constant 128 : i32
          %parallel_loop3A_764 = arith.divsi %parallel_loop3A_762, %parallel_loop3A_763 : i32
          %parallel_loop3A_765 = arith.constant 128 : i32
          %parallel_loop3A_766 = arith.muli %parallel_loop3A_764, %parallel_loop3A_765 : i32
          %parallel_loop3A_767 = arith.subi %parallel_loop3A_762, %parallel_loop3A_766 : i32
          %parallel_loop3A_768 = vector.broadcast %parallel_loop3A_767 : i32 to vector<16xi32>
          %parallel_loop3A_769 = arith.constant 16 : i32
          %parallel_loop3A_770 = arith.muli %parallel_loop3A_764, %parallel_loop3A_769 : i32
          %parallel_loop3A_771 = vector.broadcast %parallel_loop3A_770 : i32 to vector<16xi32>
          %parallel_loop3A_772 = arith.addi %iota3A, %parallel_loop3A_771 : vector<16xi32>
          %parallel_loop3A_773 = tpu.vector_load_idx %arg10[%parallel_loop3A_772, %parallel_loop3A_768] : memref<192x128xf32, #tpu.memory_space<vmem>>[vector<16xi32>, vector<16xi32>], vector<16xf32>,
          %parallel_loop3A_774 = arith.constant 48 : i32
          %parallel_loop3A_775 = vector.broadcast %parallel_loop3A_774 : i32 to vector<16xi32>
          %parallel_loop3A_776 = arith.addi %parallel_loop3A_772, %parallel_loop3A_775 : vector<16xi32>
          %parallel_loop3A_777 = tpu.vector_load_idx %arg10[%parallel_loop3A_776, %parallel_loop3A_768] : memref<192x128xf32, #tpu.memory_space<vmem>>[vector<16xi32>, vector<16xi32>], vector<16xf32>,
          %parallel_loop3A_778 = arith.constant 96 : i32
          %parallel_loop3A_779 = vector.broadcast %parallel_loop3A_778 : i32 to vector<16xi32>
          %parallel_loop3A_780 = arith.addi %parallel_loop3A_772, %parallel_loop3A_779 : vector<16xi32>
          %parallel_loop3A_781 = tpu.vector_load_idx %arg10[%parallel_loop3A_780, %parallel_loop3A_768] : memref<192x128xf32, #tpu.memory_space<vmem>>[vector<16xi32>, vector<16xi32>], vector<16xf32>,
          %parallel_loop3A_782 = arith.constant 144 : i32
          %parallel_loop3A_783 = vector.broadcast %parallel_loop3A_782 : i32 to vector<16xi32>
          %parallel_loop3A_784 = arith.addi %parallel_loop3A_772, %parallel_loop3A_783 : vector<16xi32>
          %parallel_loop3A_785 = tpu.vector_load_idx %arg10[%parallel_loop3A_784, %parallel_loop3A_768] : memref<192x128xf32, #tpu.memory_space<vmem>>[vector<16xi32>, vector<16xi32>], vector<16xf32>,
          %parallel_loop3A_786 = arith.mulf %mul3A_695, %parallel_loop3A_773 : vector<16xf32>
          %parallel_loop3A_787 = arith.mulf %mul3A_696, %parallel_loop3A_777 : vector<16xf32>
          %parallel_loop3A_788 = arith.addf %parallel_loop3A_786, %parallel_loop3A_787 : vector<16xf32>
          %parallel_loop3A_789 = arith.mulf %mul3A_697, %parallel_loop3A_781 : vector<16xf32>
          %parallel_loop3A_790 = arith.addf %parallel_loop3A_788, %parallel_loop3A_789 : vector<16xf32>
          %parallel_loop3A_791 = arith.mulf %mul3A_698, %parallel_loop3A_785 : vector<16xf32>
          %parallel_loop3A_792 = arith.addf %parallel_loop3A_790, %parallel_loop3A_791 : vector<16xf32>
          %parallel_loop3A_793 = arith.index_cast %parallel_loop3A_762 : i32 to index
          %parallel_loop3A_794 = arith.index_cast %min3A_553 : i32 to index
          %parallel_loop3A_795 = tpu.vector_load %arg11[%parallel_loop3A_793, %parallel_loop3A_794] {strides = array<i32>} : memref<384x196xf32, #tpu.memory_space<vmem>>, vector<16xf32>,
          tpu.vector_store %arg11[%parallel_loop3A_793, %parallel_loop3A_794], %parallel_loop3A_792 {strides = array<i32>} : memref<384x196xf32, #tpu.memory_space<vmem>>, vector<16xf32>,
          %parallel_loop3A_796 = arith.constant 2 : i32
          %parallel_loop3A_797 = arith.addi %parallel_loop3A_725, %parallel_loop3A_796 : i32
          %parallel_loop3A_798 = arith.constant 128 : i32
          %parallel_loop3A_799 = arith.divsi %parallel_loop3A_797, %parallel_loop3A_798 : i32
          %parallel_loop3A_800 = arith.constant 128 : i32
          %parallel_loop3A_801 = arith.muli %parallel_loop3A_799, %parallel_loop3A_800 : i32
          %parallel_loop3A_802 = arith.subi %parallel_loop3A_797, %parallel_loop3A_801 : i32
          %parallel_loop3A_803 = vector.broadcast %parallel_loop3A_802 : i32 to vector<16xi32>
          %parallel_loop3A_804 = arith.constant 16 : i32
          %parallel_loop3A_805 = arith.muli %parallel_loop3A_799, %parallel_loop3A_804 : i32
          %parallel_loop3A_806 = vector.broadcast %parallel_loop3A_805 : i32 to vector<16xi32>
          %parallel_loop3A_807 = arith.addi %iota3A, %parallel_loop3A_806 : vector<16xi32>
          %parallel_loop3A_808 = tpu.vector_load_idx %arg10[%parallel_loop3A_807, %parallel_loop3A_803] : memref<192x128xf32, #tpu.memory_space<vmem>>[vector<16xi32>, vector<16xi32>], vector<16xf32>,
          %parallel_loop3A_809 = arith.constant 48 : i32
          %parallel_loop3A_810 = vector.broadcast %parallel_loop3A_809 : i32 to vector<16xi32>
          %parallel_loop3A_811 = arith.addi %parallel_loop3A_807, %parallel_loop3A_810 : vector<16xi32>
          %parallel_loop3A_812 = tpu.vector_load_idx %arg10[%parallel_loop3A_811, %parallel_loop3A_803] : memref<192x128xf32, #tpu.memory_space<vmem>>[vector<16xi32>, vector<16xi32>], vector<16xf32>,
          %parallel_loop3A_813 = arith.constant 96 : i32
          %parallel_loop3A_814 = vector.broadcast %parallel_loop3A_813 : i32 to vector<16xi32>
          %parallel_loop3A_815 = arith.addi %parallel_loop3A_807, %parallel_loop3A_814 : vector<16xi32>
          %parallel_loop3A_816 = tpu.vector_load_idx %arg10[%parallel_loop3A_815, %parallel_loop3A_803] : memref<192x128xf32, #tpu.memory_space<vmem>>[vector<16xi32>, vector<16xi32>], vector<16xf32>,
          %parallel_loop3A_817 = arith.constant 144 : i32
          %parallel_loop3A_818 = vector.broadcast %parallel_loop3A_817 : i32 to vector<16xi32>
          %parallel_loop3A_819 = arith.addi %parallel_loop3A_807, %parallel_loop3A_818 : vector<16xi32>
          %parallel_loop3A_820 = tpu.vector_load_idx %arg10[%parallel_loop3A_819, %parallel_loop3A_803] : memref<192x128xf32, #tpu.memory_space<vmem>>[vector<16xi32>, vector<16xi32>], vector<16xf32>,
          %parallel_loop3A_821 = arith.mulf %mul3A_695, %parallel_loop3A_808 : vector<16xf32>
          %parallel_loop3A_822 = arith.mulf %mul3A_696, %parallel_loop3A_812 : vector<16xf32>
          %parallel_loop3A_823 = arith.addf %parallel_loop3A_821, %parallel_loop3A_822 : vector<16xf32>
          %parallel_loop3A_824 = arith.mulf %mul3A_697, %parallel_loop3A_816 : vector<16xf32>
          %parallel_loop3A_825 = arith.addf %parallel_loop3A_823, %parallel_loop3A_824 : vector<16xf32>
          %parallel_loop3A_826 = arith.mulf %mul3A_698, %parallel_loop3A_820 : vector<16xf32>
          %parallel_loop3A_827 = arith.addf %parallel_loop3A_825, %parallel_loop3A_826 : vector<16xf32>
          %parallel_loop3A_828 = arith.index_cast %parallel_loop3A_797 : i32 to index
          %parallel_loop3A_829 = arith.index_cast %min3A_553 : i32 to index
          %parallel_loop3A_830 = tpu.vector_load %arg11[%parallel_loop3A_828, %parallel_loop3A_829] {strides = array<i32>} : memref<384x196xf32, #tpu.memory_space<vmem>>, vector<16xf32>,
          tpu.vector_store %arg11[%parallel_loop3A_828, %parallel_loop3A_829], %parallel_loop3A_827 {strides = array<i32>} : memref<384x196xf32, #tpu.memory_space<vmem>>, vector<16xf32>,
          %parallel_loop3A_831 = arith.constant 3 : i32
          %parallel_loop3A_832 = arith.addi %parallel_loop3A_725, %parallel_loop3A_831 : i32
          %parallel_loop3A_833 = arith.constant 128 : i32
          %parallel_loop3A_834 = arith.divsi %parallel_loop3A_832, %parallel_loop3A_833 : i32
          %parallel_loop3A_835 = arith.constant 128 : i32
          %parallel_loop3A_836 = arith.muli %parallel_loop3A_834, %parallel_loop3A_835 : i32
          %parallel_loop3A_837 = arith.subi %parallel_loop3A_832, %parallel_loop3A_836 : i32
          %parallel_loop3A_838 = vector.broadcast %parallel_loop3A_837 : i32 to vector<16xi32>
          %parallel_loop3A_839 = arith.constant 16 : i32
          %parallel_loop3A_840 = arith.muli %parallel_loop3A_834, %parallel_loop3A_839 : i32
          %parallel_loop3A_841 = vector.broadcast %parallel_loop3A_840 : i32 to vector<16xi32>
          %parallel_loop3A_842 = arith.addi %iota3A, %parallel_loop3A_841 : vector<16xi32>
          %parallel_loop3A_843 = tpu.vector_load_idx %arg10[%parallel_loop3A_842, %parallel_loop3A_838] : memref<192x128xf32, #tpu.memory_space<vmem>>[vector<16xi32>, vector<16xi32>], vector<16xf32>,
          %parallel_loop3A_844 = arith.constant 48 : i32
          %parallel_loop3A_845 = vector.broadcast %parallel_loop3A_844 : i32 to vector<16xi32>
          %parallel_loop3A_846 = arith.addi %parallel_loop3A_842, %parallel_loop3A_845 : vector<16xi32>
          %parallel_loop3A_847 = tpu.vector_load_idx %arg10[%parallel_loop3A_846, %parallel_loop3A_838] : memref<192x128xf32, #tpu.memory_space<vmem>>[vector<16xi32>, vector<16xi32>], vector<16xf32>,
          %parallel_loop3A_848 = arith.constant 96 : i32
          %parallel_loop3A_849 = vector.broadcast %parallel_loop3A_848 : i32 to vector<16xi32>
          %parallel_loop3A_850 = arith.addi %parallel_loop3A_842, %parallel_loop3A_849 : vector<16xi32>
          %parallel_loop3A_851 = tpu.vector_load_idx %arg10[%parallel_loop3A_850, %parallel_loop3A_838] : memref<192x128xf32, #tpu.memory_space<vmem>>[vector<16xi32>, vector<16xi32>], vector<16xf32>,
          %parallel_loop3A_852 = arith.constant 144 : i32
          %parallel_loop3A_853 = vector.broadcast %parallel_loop3A_852 : i32 to vector<16xi32>
          %parallel_loop3A_854 = arith.addi %parallel_loop3A_842, %parallel_loop3A_853 : vector<16xi32>
          %parallel_loop3A_855 = tpu.vector_load_idx %arg10[%parallel_loop3A_854, %parallel_loop3A_838] : memref<192x128xf32, #tpu.memory_space<vmem>>[vector<16xi32>, vector<16xi32>], vector<16xf32>,
          %parallel_loop3A_856 = arith.mulf %mul3A_695, %parallel_loop3A_843 : vector<16xf32>
          %parallel_loop3A_857 = arith.mulf %mul3A_696, %parallel_loop3A_847 : vector<16xf32>
          %parallel_loop3A_858 = arith.addf %parallel_loop3A_856, %parallel_loop3A_857 : vector<16xf32>
          %parallel_loop3A_859 = arith.mulf %mul3A_697, %parallel_loop3A_851 : vector<16xf32>
          %parallel_loop3A_860 = arith.addf %parallel_loop3A_858, %parallel_loop3A_859 : vector<16xf32>
          %parallel_loop3A_861 = arith.mulf %mul3A_698, %parallel_loop3A_855 : vector<16xf32>
          %parallel_loop3A_862 = arith.addf %parallel_loop3A_860, %parallel_loop3A_861 : vector<16xf32>
          %parallel_loop3A_863 = arith.index_cast %parallel_loop3A_832 : i32 to index
          %parallel_loop3A_864 = arith.index_cast %min3A_553 : i32 to index
          %parallel_loop3A_865 = tpu.vector_load %arg11[%parallel_loop3A_863, %parallel_loop3A_864] {strides = array<i32>} : memref<384x196xf32, #tpu.memory_space<vmem>>, vector<16xf32>,
          tpu.vector_store %arg11[%parallel_loop3A_863, %parallel_loop3A_864], %parallel_loop3A_862 {strides = array<i32>} : memref<384x196xf32, #tpu.memory_space<vmem>>, vector<16xf32>,
        } {sc.loop_unroll_factor = 2 : i64, sc.parallel_access}
      }
      %scan3A_248 = arith.constant 13 : i32
      %mul3A_249 = arith.constant 384 : i32
      %mul3A_250 = arith.muli %add3A_9, %mul3A_249 : i32
      %add3A_251 = arith.constant 0 : i32
      %add3A_252 = arith.addi %mul3A_250, %add3A_251 : i32
      %add3A_253 = arith.constant 0 : i32
      %add3A_254 = arith.addi %add3A_252, %add3A_253 : i32
      %add3A_255 = vector.broadcast %add3A_254 : i32 to vector<16xi32>
      %add3A_256 = arith.addi %add3A_255, %iota3A : vector<16xi32>
      %swap3A_257 = arith.constant 0 : i32
      %swap3A_258 = arith.index_cast %swap3A_257 : i32 to index
      %swap3A_259 = arith.constant 0 : index
      %swap3A_260 = tpu.vector_load %arg12[%swap3A_258, %swap3A_259] {strides = array<i32>} : memref<3x128xi32, #tpu.memory_space<vmem>>, vector<16xi32>,
      tpu.vector_store %arg12[%swap3A_258, %swap3A_259], %add3A_256 {strides = array<i32>} : memref<3x128xi32, #tpu.memory_space<vmem>>, vector<16xi32>,
      %add3A_261 = arith.constant 0 : i32
      %add3A_262 = arith.addi %mul3A_250, %add3A_261 : i32
      %add3A_263 = arith.constant 16 : i32
      %add3A_264 = arith.addi %add3A_262, %add3A_263 : i32
      %add3A_265 = vector.broadcast %add3A_264 : i32 to vector<16xi32>
      %add3A_266 = arith.addi %add3A_265, %iota3A : vector<16xi32>
      %swap3A_267 = arith.constant 0 : i32
      %swap3A_268 = arith.index_cast %swap3A_267 : i32 to index
      %swap3A_269 = arith.constant 16 : index
      %swap3A_270 = tpu.vector_load %arg12[%swap3A_268, %swap3A_269] {strides = array<i32>} : memref<3x128xi32, #tpu.memory_space<vmem>>, vector<16xi32>,
      tpu.vector_store %arg12[%swap3A_268, %swap3A_269], %add3A_266 {strides = array<i32>} : memref<3x128xi32, #tpu.memory_space<vmem>>, vector<16xi32>,
      %add3A_271 = arith.constant 0 : i32
      %add3A_272 = arith.addi %mul3A_250, %add3A_271 : i32
      %add3A_273 = arith.constant 32 : i32
      %add3A_274 = arith.addi %add3A_272, %add3A_273 : i32
      %add3A_275 = vector.broadcast %add3A_274 : i32 to vector<16xi32>
      %add3A_276 = arith.addi %add3A_275, %iota3A : vector<16xi32>
      %swap3A_277 = arith.constant 0 : i32
      %swap3A_278 = arith.index_cast %swap3A_277 : i32 to index
      %swap3A_279 = arith.constant 32 : index
      %swap3A_280 = tpu.vector_load %arg12[%swap3A_278, %swap3A_279] {strides = array<i32>} : memref<3x128xi32, #tpu.memory_space<vmem>>, vector<16xi32>,
      tpu.vector_store %arg12[%swap3A_278, %swap3A_279], %add3A_276 {strides = array<i32>} : memref<3x128xi32, #tpu.memory_space<vmem>>, vector<16xi32>,
      %add3A_281 = arith.constant 0 : i32
      %add3A_282 = arith.addi %mul3A_250, %add3A_281 : i32
      %add3A_283 = arith.constant 48 : i32
      %add3A_284 = arith.addi %add3A_282, %add3A_283 : i32
      %add3A_285 = vector.broadcast %add3A_284 : i32 to vector<16xi32>
      %add3A_286 = arith.addi %add3A_285, %iota3A : vector<16xi32>
      %swap3A_287 = arith.constant 0 : i32
      %swap3A_288 = arith.index_cast %swap3A_287 : i32 to index
      %swap3A_289 = arith.constant 48 : index
      %swap3A_290 = tpu.vector_load %arg12[%swap3A_288, %swap3A_289] {strides = array<i32>} : memref<3x128xi32, #tpu.memory_space<vmem>>, vector<16xi32>,
      tpu.vector_store %arg12[%swap3A_288, %swap3A_289], %add3A_286 {strides = array<i32>} : memref<3x128xi32, #tpu.memory_space<vmem>>, vector<16xi32>,
      %add3A_291 = arith.constant 0 : i32
      %add3A_292 = arith.addi %mul3A_250, %add3A_291 : i32
      %add3A_293 = arith.constant 64 : i32
      %add3A_294 = arith.addi %add3A_292, %add3A_293 : i32
      %add3A_295 = vector.broadcast %add3A_294 : i32 to vector<16xi32>
      %add3A_296 = arith.addi %add3A_295, %iota3A : vector<16xi32>
      %swap3A_297 = arith.constant 0 : i32
      %swap3A_298 = arith.index_cast %swap3A_297 : i32 to index
      %swap3A_299 = arith.constant 64 : index
      %swap3A_300 = tpu.vector_load %arg12[%swap3A_298, %swap3A_299] {strides = array<i32>} : memref<3x128xi32, #tpu.memory_space<vmem>>, vector<16xi32>,
      tpu.vector_store %arg12[%swap3A_298, %swap3A_299], %add3A_296 {strides = array<i32>} : memref<3x128xi32, #tpu.memory_space<vmem>>, vector<16xi32>,
      %add3A_301 = arith.constant 0 : i32
      %add3A_302 = arith.addi %mul3A_250, %add3A_301 : i32
      %add3A_303 = arith.constant 80 : i32
      %add3A_304 = arith.addi %add3A_302, %add3A_303 : i32
      %add3A_305 = vector.broadcast %add3A_304 : i32 to vector<16xi32>
      %add3A_306 = arith.addi %add3A_305, %iota3A : vector<16xi32>
      %swap3A_307 = arith.constant 0 : i32
      %swap3A_308 = arith.index_cast %swap3A_307 : i32 to index
      %swap3A_309 = arith.constant 80 : index
      %swap3A_310 = tpu.vector_load %arg12[%swap3A_308, %swap3A_309] {strides = array<i32>} : memref<3x128xi32, #tpu.memory_space<vmem>>, vector<16xi32>,
      tpu.vector_store %arg12[%swap3A_308, %swap3A_309], %add3A_306 {strides = array<i32>} : memref<3x128xi32, #tpu.memory_space<vmem>>, vector<16xi32>,
      %add3A_311 = arith.constant 0 : i32
      %add3A_312 = arith.addi %mul3A_250, %add3A_311 : i32
      %add3A_313 = arith.constant 96 : i32
      %add3A_314 = arith.addi %add3A_312, %add3A_313 : i32
      %add3A_315 = vector.broadcast %add3A_314 : i32 to vector<16xi32>
      %add3A_316 = arith.addi %add3A_315, %iota3A : vector<16xi32>
      %swap3A_317 = arith.constant 0 : i32
      %swap3A_318 = arith.index_cast %swap3A_317 : i32 to index
      %swap3A_319 = arith.constant 96 : index
      %swap3A_320 = tpu.vector_load %arg12[%swap3A_318, %swap3A_319] {strides = array<i32>} : memref<3x128xi32, #tpu.memory_space<vmem>>, vector<16xi32>,
      tpu.vector_store %arg12[%swap3A_318, %swap3A_319], %add3A_316 {strides = array<i32>} : memref<3x128xi32, #tpu.memory_space<vmem>>, vector<16xi32>,
      %add3A_321 = arith.constant 0 : i32
      %add3A_322 = arith.addi %mul3A_250, %add3A_321 : i32
      %add3A_323 = arith.constant 112 : i32
      %add3A_324 = arith.addi %add3A_322, %add3A_323 : i32
      %add3A_325 = vector.broadcast %add3A_324 : i32 to vector<16xi32>
      %add3A_326 = arith.addi %add3A_325, %iota3A : vector<16xi32>
      %swap3A_327 = arith.constant 0 : i32
      %swap3A_328 = arith.index_cast %swap3A_327 : i32 to index
      %swap3A_329 = arith.constant 112 : index
      %swap3A_330 = tpu.vector_load %arg12[%swap3A_328, %swap3A_329] {strides = array<i32>} : memref<3x128xi32, #tpu.memory_space<vmem>>, vector<16xi32>,
      tpu.vector_store %arg12[%swap3A_328, %swap3A_329], %add3A_326 {strides = array<i32>} : memref<3x128xi32, #tpu.memory_space<vmem>>, vector<16xi32>,
      %add3A_331 = arith.constant 128 : i32
      %add3A_332 = arith.addi %mul3A_250, %add3A_331 : i32
      %add3A_333 = arith.constant 0 : i32
      %add3A_334 = arith.addi %add3A_332, %add3A_333 : i32
      %add3A_335 = vector.broadcast %add3A_334 : i32 to vector<16xi32>
      %add3A_336 = arith.addi %add3A_335, %iota3A : vector<16xi32>
      %swap3A_337 = arith.constant 1 : i32
      %swap3A_338 = arith.index_cast %swap3A_337 : i32 to index
      %swap3A_339 = arith.constant 0 : index
      %swap3A_340 = tpu.vector_load %arg12[%swap3A_338, %swap3A_339] {strides = array<i32>} : memref<3x128xi32, #tpu.memory_space<vmem>>, vector<16xi32>,
      tpu.vector_store %arg12[%swap3A_338, %swap3A_339], %add3A_336 {strides = array<i32>} : memref<3x128xi32, #tpu.memory_space<vmem>>, vector<16xi32>,
      %add3A_341 = arith.constant 128 : i32
      %add3A_342 = arith.addi %mul3A_250, %add3A_341 : i32
      %add3A_343 = arith.constant 16 : i32
      %add3A_344 = arith.addi %add3A_342, %add3A_343 : i32
      %add3A_345 = vector.broadcast %add3A_344 : i32 to vector<16xi32>
      %add3A_346 = arith.addi %add3A_345, %iota3A : vector<16xi32>
      %swap3A_347 = arith.constant 1 : i32
      %swap3A_348 = arith.index_cast %swap3A_347 : i32 to index
      %swap3A_349 = arith.constant 16 : index
      %swap3A_350 = tpu.vector_load %arg12[%swap3A_348, %swap3A_349] {strides = array<i32>} : memref<3x128xi32, #tpu.memory_space<vmem>>, vector<16xi32>,
      tpu.vector_store %arg12[%swap3A_348, %swap3A_349], %add3A_346 {strides = array<i32>} : memref<3x128xi32, #tpu.memory_space<vmem>>, vector<16xi32>,
      %add3A_351 = arith.constant 128 : i32
      %add3A_352 = arith.addi %mul3A_250, %add3A_351 : i32
      %add3A_353 = arith.constant 32 : i32
      %add3A_354 = arith.addi %add3A_352, %add3A_353 : i32
      %add3A_355 = vector.broadcast %add3A_354 : i32 to vector<16xi32>
      %add3A_356 = arith.addi %add3A_355, %iota3A : vector<16xi32>
      %swap3A_357 = arith.constant 1 : i32
      %swap3A_358 = arith.index_cast %swap3A_357 : i32 to index
      %swap3A_359 = arith.constant 32 : index
      %swap3A_360 = tpu.vector_load %arg12[%swap3A_358, %swap3A_359] {strides = array<i32>} : memref<3x128xi32, #tpu.memory_space<vmem>>, vector<16xi32>,
      tpu.vector_store %arg12[%swap3A_358, %swap3A_359], %add3A_356 {strides = array<i32>} : memref<3x128xi32, #tpu.memory_space<vmem>>, vector<16xi32>,
      %add3A_361 = arith.constant 128 : i32
      %add3A_362 = arith.addi %mul3A_250, %add3A_361 : i32
      %add3A_363 = arith.constant 48 : i32
      %add3A_364 = arith.addi %add3A_362, %add3A_363 : i32
      %add3A_365 = vector.broadcast %add3A_364 : i32 to vector<16xi32>
      %add3A_366 = arith.addi %add3A_365, %iota3A : vector<16xi32>
      %swap3A_367 = arith.constant 1 : i32
      %swap3A_368 = arith.index_cast %swap3A_367 : i32 to index
      %swap3A_369 = arith.constant 48 : index
      %swap3A_370 = tpu.vector_load %arg12[%swap3A_368, %swap3A_369] {strides = array<i32>} : memref<3x128xi32, #tpu.memory_space<vmem>>, vector<16xi32>,
      tpu.vector_store %arg12[%swap3A_368, %swap3A_369], %add3A_366 {strides = array<i32>} : memref<3x128xi32, #tpu.memory_space<vmem>>, vector<16xi32>,
      %add3A_371 = arith.constant 128 : i32
      %add3A_372 = arith.addi %mul3A_250, %add3A_371 : i32
      %add3A_373 = arith.constant 64 : i32
      %add3A_374 = arith.addi %add3A_372, %add3A_373 : i32
      %add3A_375 = vector.broadcast %add3A_374 : i32 to vector<16xi32>
      %add3A_376 = arith.addi %add3A_375, %iota3A : vector<16xi32>
      %swap3A_377 = arith.constant 1 : i32
      %swap3A_378 = arith.index_cast %swap3A_377 : i32 to index
      %swap3A_379 = arith.constant 64 : index
      %swap3A_380 = tpu.vector_load %arg12[%swap3A_378, %swap3A_379] {strides = array<i32>} : memref<3x128xi32, #tpu.memory_space<vmem>>, vector<16xi32>,
      tpu.vector_store %arg12[%swap3A_378, %swap3A_379], %add3A_376 {strides = array<i32>} : memref<3x128xi32, #tpu.memory_space<vmem>>, vector<16xi32>,
      %add3A_381 = arith.constant 128 : i32
      %add3A_382 = arith.addi %mul3A_250, %add3A_381 : i32
      %add3A_383 = arith.constant 80 : i32
      %add3A_384 = arith.addi %add3A_382, %add3A_383 : i32
      %add3A_385 = vector.broadcast %add3A_384 : i32 to vector<16xi32>
      %add3A_386 = arith.addi %add3A_385, %iota3A : vector<16xi32>
      %swap3A_387 = arith.constant 1 : i32
      %swap3A_388 = arith.index_cast %swap3A_387 : i32 to index
      %swap3A_389 = arith.constant 80 : index
      %swap3A_390 = tpu.vector_load %arg12[%swap3A_388, %swap3A_389] {strides = array<i32>} : memref<3x128xi32, #tpu.memory_space<vmem>>, vector<16xi32>,
      tpu.vector_store %arg12[%swap3A_388, %swap3A_389], %add3A_386 {strides = array<i32>} : memref<3x128xi32, #tpu.memory_space<vmem>>, vector<16xi32>,
      %add3A_391 = arith.constant 128 : i32
      %add3A_392 = arith.addi %mul3A_250, %add3A_391 : i32
      %add3A_393 = arith.constant 96 : i32
      %add3A_394 = arith.addi %add3A_392, %add3A_393 : i32
      %add3A_395 = vector.broadcast %add3A_394 : i32 to vector<16xi32>
      %add3A_396 = arith.addi %add3A_395, %iota3A : vector<16xi32>
      %swap3A_397 = arith.constant 1 : i32
      %swap3A_398 = arith.index_cast %swap3A_397 : i32 to index
      %swap3A_399 = arith.constant 96 : index
      %swap3A_400 = tpu.vector_load %arg12[%swap3A_398, %swap3A_399] {strides = array<i32>} : memref<3x128xi32, #tpu.memory_space<vmem>>, vector<16xi32>,
      tpu.vector_store %arg12[%swap3A_398, %swap3A_399], %add3A_396 {strides = array<i32>} : memref<3x128xi32, #tpu.memory_space<vmem>>, vector<16xi32>,
      %add3A_401 = arith.constant 128 : i32
      %add3A_402 = arith.addi %mul3A_250, %add3A_401 : i32
      %add3A_403 = arith.constant 112 : i32
      %add3A_404 = arith.addi %add3A_402, %add3A_403 : i32
      %add3A_405 = vector.broadcast %add3A_404 : i32 to vector<16xi32>
      %add3A_406 = arith.addi %add3A_405, %iota3A : vector<16xi32>
      %swap3A_407 = arith.constant 1 : i32
      %swap3A_408 = arith.index_cast %swap3A_407 : i32 to index
      %swap3A_409 = arith.constant 112 : index
      %swap3A_410 = tpu.vector_load %arg12[%swap3A_408, %swap3A_409] {strides = array<i32>} : memref<3x128xi32, #tpu.memory_space<vmem>>, vector<16xi32>,
      tpu.vector_store %arg12[%swap3A_408, %swap3A_409], %add3A_406 {strides = array<i32>} : memref<3x128xi32, #tpu.memory_space<vmem>>, vector<16xi32>,
      %add3A_411 = arith.constant 256 : i32
      %add3A_412 = arith.addi %mul3A_250, %add3A_411 : i32
      %add3A_413 = arith.constant 0 : i32
      %add3A_414 = arith.addi %add3A_412, %add3A_413 : i32
      %add3A_415 = vector.broadcast %add3A_414 : i32 to vector<16xi32>
      %add3A_416 = arith.addi %add3A_415, %iota3A : vector<16xi32>
      %swap3A_417 = arith.constant 2 : i32
      %swap3A_418 = arith.index_cast %swap3A_417 : i32 to index
      %swap3A_419 = arith.constant 0 : index
      %swap3A_420 = tpu.vector_load %arg12[%swap3A_418, %swap3A_419] {strides = array<i32>} : memref<3x128xi32, #tpu.memory_space<vmem>>, vector<16xi32>,
      tpu.vector_store %arg12[%swap3A_418, %swap3A_419], %add3A_416 {strides = array<i32>} : memref<3x128xi32, #tpu.memory_space<vmem>>, vector<16xi32>,
      %add3A_421 = arith.constant 256 : i32
      %add3A_422 = arith.addi %mul3A_250, %add3A_421 : i32
      %add3A_423 = arith.constant 16 : i32
      %add3A_424 = arith.addi %add3A_422, %add3A_423 : i32
      %add3A_425 = vector.broadcast %add3A_424 : i32 to vector<16xi32>
      %add3A_426 = arith.addi %add3A_425, %iota3A : vector<16xi32>
      %swap3A_427 = arith.constant 2 : i32
      %swap3A_428 = arith.index_cast %swap3A_427 : i32 to index
      %swap3A_429 = arith.constant 16 : index
      %swap3A_430 = tpu.vector_load %arg12[%swap3A_428, %swap3A_429] {strides = array<i32>} : memref<3x128xi32, #tpu.memory_space<vmem>>, vector<16xi32>,
      tpu.vector_store %arg12[%swap3A_428, %swap3A_429], %add3A_426 {strides = array<i32>} : memref<3x128xi32, #tpu.memory_space<vmem>>, vector<16xi32>,
      %add3A_431 = arith.constant 256 : i32
      %add3A_432 = arith.addi %mul3A_250, %add3A_431 : i32
      %add3A_433 = arith.constant 32 : i32
      %add3A_434 = arith.addi %add3A_432, %add3A_433 : i32
      %add3A_435 = vector.broadcast %add3A_434 : i32 to vector<16xi32>
      %add3A_436 = arith.addi %add3A_435, %iota3A : vector<16xi32>
      %swap3A_437 = arith.constant 2 : i32
      %swap3A_438 = arith.index_cast %swap3A_437 : i32 to index
      %swap3A_439 = arith.constant 32 : index
      %swap3A_440 = tpu.vector_load %arg12[%swap3A_438, %swap3A_439] {strides = array<i32>} : memref<3x128xi32, #tpu.memory_space<vmem>>, vector<16xi32>,
      tpu.vector_store %arg12[%swap3A_438, %swap3A_439], %add3A_436 {strides = array<i32>} : memref<3x128xi32, #tpu.memory_space<vmem>>, vector<16xi32>,
      %add3A_441 = arith.constant 256 : i32
      %add3A_442 = arith.addi %mul3A_250, %add3A_441 : i32
      %add3A_443 = arith.constant 48 : i32
      %add3A_444 = arith.addi %add3A_442, %add3A_443 : i32
      %add3A_445 = vector.broadcast %add3A_444 : i32 to vector<16xi32>
      %add3A_446 = arith.addi %add3A_445, %iota3A : vector<16xi32>
      %swap3A_447 = arith.constant 2 : i32
      %swap3A_448 = arith.index_cast %swap3A_447 : i32 to index
      %swap3A_449 = arith.constant 48 : index
      %swap3A_450 = tpu.vector_load %arg12[%swap3A_448, %swap3A_449] {strides = array<i32>} : memref<3x128xi32, #tpu.memory_space<vmem>>, vector<16xi32>,
      tpu.vector_store %arg12[%swap3A_448, %swap3A_449], %add3A_446 {strides = array<i32>} : memref<3x128xi32, #tpu.memory_space<vmem>>, vector<16xi32>,
      %add3A_451 = arith.constant 256 : i32
      %add3A_452 = arith.addi %mul3A_250, %add3A_451 : i32
      %add3A_453 = arith.constant 64 : i32
      %add3A_454 = arith.addi %add3A_452, %add3A_453 : i32
      %add3A_455 = vector.broadcast %add3A_454 : i32 to vector<16xi32>
      %add3A_456 = arith.addi %add3A_455, %iota3A : vector<16xi32>
      %swap3A_457 = arith.constant 2 : i32
      %swap3A_458 = arith.index_cast %swap3A_457 : i32 to index
      %swap3A_459 = arith.constant 64 : index
      %swap3A_460 = tpu.vector_load %arg12[%swap3A_458, %swap3A_459] {strides = array<i32>} : memref<3x128xi32, #tpu.memory_space<vmem>>, vector<16xi32>,
      tpu.vector_store %arg12[%swap3A_458, %swap3A_459], %add3A_456 {strides = array<i32>} : memref<3x128xi32, #tpu.memory_space<vmem>>, vector<16xi32>,
      %add3A_461 = arith.constant 256 : i32
      %add3A_462 = arith.addi %mul3A_250, %add3A_461 : i32
      %add3A_463 = arith.constant 80 : i32
      %add3A_464 = arith.addi %add3A_462, %add3A_463 : i32
      %add3A_465 = vector.broadcast %add3A_464 : i32 to vector<16xi32>
      %add3A_466 = arith.addi %add3A_465, %iota3A : vector<16xi32>
      %swap3A_467 = arith.constant 2 : i32
      %swap3A_468 = arith.index_cast %swap3A_467 : i32 to index
      %swap3A_469 = arith.constant 80 : index
      %swap3A_470 = tpu.vector_load %arg12[%swap3A_468, %swap3A_469] {strides = array<i32>} : memref<3x128xi32, #tpu.memory_space<vmem>>, vector<16xi32>,
      tpu.vector_store %arg12[%swap3A_468, %swap3A_469], %add3A_466 {strides = array<i32>} : memref<3x128xi32, #tpu.memory_space<vmem>>, vector<16xi32>,
      %add3A_471 = arith.constant 256 : i32
      %add3A_472 = arith.addi %mul3A_250, %add3A_471 : i32
      %add3A_473 = arith.constant 96 : i32
      %add3A_474 = arith.addi %add3A_472, %add3A_473 : i32
      %add3A_475 = vector.broadcast %add3A_474 : i32 to vector<16xi32>
      %add3A_476 = arith.addi %add3A_475, %iota3A : vector<16xi32>
      %swap3A_477 = arith.constant 2 : i32
      %swap3A_478 = arith.index_cast %swap3A_477 : i32 to index
      %swap3A_479 = arith.constant 96 : index
      %swap3A_480 = tpu.vector_load %arg12[%swap3A_478, %swap3A_479] {strides = array<i32>} : memref<3x128xi32, #tpu.memory_space<vmem>>, vector<16xi32>,
      tpu.vector_store %arg12[%swap3A_478, %swap3A_479], %add3A_476 {strides = array<i32>} : memref<3x128xi32, #tpu.memory_space<vmem>>, vector<16xi32>,
      %add3A_481 = arith.constant 256 : i32
      %add3A_482 = arith.addi %mul3A_250, %add3A_481 : i32
      %add3A_483 = arith.constant 112 : i32
      %add3A_484 = arith.addi %add3A_482, %add3A_483 : i32
      %add3A_485 = vector.broadcast %add3A_484 : i32 to vector<16xi32>
      %add3A_486 = arith.addi %add3A_485, %iota3A : vector<16xi32>
      %swap3A_487 = arith.constant 2 : i32
      %swap3A_488 = arith.index_cast %swap3A_487 : i32 to index
      %swap3A_489 = arith.constant 112 : index
      %swap3A_490 = tpu.vector_load %arg12[%swap3A_488, %swap3A_489] {strides = array<i32>} : memref<3x128xi32, #tpu.memory_space<vmem>>, vector<16xi32>,
      tpu.vector_store %arg12[%swap3A_488, %swap3A_489], %add3A_486 {strides = array<i32>} : memref<3x128xi32, #tpu.memory_space<vmem>>, vector<16xi32>,
      %dma_start3A = arith.constant 0 : i32
      %dma_start3A_491 = arith.constant 0 : i32
      %dma_start3A_492 = arith.constant 0 : i32
      %dma_start3A_493 = tpu.memref_slice %arg11[%dma_start3A_491, %dma_start3A_492] : memref<384x196xf32, #tpu.memory_space<vmem>> -> memref<128x196xf32, #tpu.memory_space<vmem>>
      %dma_start3A_494 = arith.constant 0 : i32
      %dma_start3A_495 = tpu.memref_slice %arg12[%dma_start3A, %dma_start3A_494] : memref<3x128xi32, #tpu.memory_space<vmem>> -> memref<1x128xi32, #tpu.memory_space<vmem>>
      %dma_start3A_496 = tpu.memref_squeeze %dma_start3A_495 : memref<1x128xi32, #tpu.memory_space<vmem>> -> memref<128xi32, #tpu.memory_space<vmem>>
      %dma_start3A_497 = arith.constant 0 : i32
      %dma_start3A_498 = arith.constant 0 : i32
      %dma_start3A_499 = tpu.memref_slice %arg4[%dma_start3A_497, %dma_start3A_498] : memref<196608x196xf32, #tpu.memory_space<hbm>> -> memref<196608x196xf32, #tpu.memory_space<hbm>>
      tpu.enqueue_indirect_dma source(%dma_start3A_493 : memref<128x196xf32, #tpu.memory_space<vmem>>) target(%dma_start3A_499 : memref<196608x196xf32, #tpu.memory_space<hbm>>) offsets(%dma_start3A_496 : memref<128xi32, #tpu.memory_space<vmem>>) semaphore(%arg14 : memref<!tpu.dma_semaphore, #tpu.memory_space<semaphore_mem>>)
      %dma_wait3A = arith.constant 0 : i32
      %dma_wait3A_500 = arith.constant 0 : i32
      %dma_wait3A_501 = arith.constant 0 : i32
      %dma_wait3A_502 = tpu.memref_slice %arg11[%dma_wait3A_500, %dma_wait3A_501] : memref<384x196xf32, #tpu.memory_space<vmem>> -> memref<128x196xf32, #tpu.memory_space<vmem>>
      %dma_wait3A_503 = arith.constant 0 : i32
      %dma_wait3A_504 = tpu.memref_slice %arg12[%dma_wait3A, %dma_wait3A_503] : memref<3x128xi32, #tpu.memory_space<vmem>> -> memref<1x128xi32, #tpu.memory_space<vmem>>
      %dma_wait3A_505 = tpu.memref_squeeze %dma_wait3A_504 : memref<1x128xi32, #tpu.memory_space<vmem>> -> memref<128xi32, #tpu.memory_space<vmem>>
      %dma_wait3A_506 = arith.constant 0 : i32
      %dma_wait3A_507 = arith.constant 0 : i32
      %dma_wait3A_508 = tpu.memref_slice %arg4[%dma_wait3A_506, %dma_wait3A_507] : memref<196608x196xf32, #tpu.memory_space<hbm>> -> memref<196608x196xf32, #tpu.memory_space<hbm>>
      tpu.wait_indirect_dma semaphore(%arg14 : memref<!tpu.dma_semaphore, #tpu.memory_space<semaphore_mem>>) src(%dma_wait3A_502 : memref<128x196xf32, #tpu.memory_space<vmem>>) dst(%dma_wait3A_508 : memref<196608x196xf32, #tpu.memory_space<hbm>>)
      %dma_start3A_509 = arith.constant 1 : i32
      %dma_start3A_510 = arith.constant 128 : i32
      %dma_start3A_511 = arith.constant 0 : i32
      %dma_start3A_512 = tpu.memref_slice %arg11[%dma_start3A_510, %dma_start3A_511] : memref<384x196xf32, #tpu.memory_space<vmem>> -> memref<128x196xf32, #tpu.memory_space<vmem>>
      %dma_start3A_513 = arith.constant 0 : i32
      %dma_start3A_514 = tpu.memref_slice %arg12[%dma_start3A_509, %dma_start3A_513] : memref<3x128xi32, #tpu.memory_space<vmem>> -> memref<1x128xi32, #tpu.memory_space<vmem>>
      %dma_start3A_515 = tpu.memref_squeeze %dma_start3A_514 : memref<1x128xi32, #tpu.memory_space<vmem>> -> memref<128xi32, #tpu.memory_space<vmem>>
      %dma_start3A_516 = arith.constant 0 : i32
      %dma_start3A_517 = arith.constant 0 : i32
      %dma_start3A_518 = tpu.memref_slice %arg4[%dma_start3A_516, %dma_start3A_517] : memref<196608x196xf32, #tpu.memory_space<hbm>> -> memref<196608x196xf32, #tpu.memory_space<hbm>>
      tpu.enqueue_indirect_dma source(%dma_start3A_512 : memref<128x196xf32, #tpu.memory_space<vmem>>) target(%dma_start3A_518 : memref<196608x196xf32, #tpu.memory_space<hbm>>) offsets(%dma_start3A_515 : memref<128xi32, #tpu.memory_space<vmem>>) semaphore(%arg14 : memref<!tpu.dma_semaphore, #tpu.memory_space<semaphore_mem>>)
      %dma_wait3A_519 = arith.constant 1 : i32
      %dma_wait3A_520 = arith.constant 128 : i32
      %dma_wait3A_521 = arith.constant 0 : i32
      %dma_wait3A_522 = tpu.memref_slice %arg11[%dma_wait3A_520, %dma_wait3A_521] : memref<384x196xf32, #tpu.memory_space<vmem>> -> memref<128x196xf32, #tpu.memory_space<vmem>>
      %dma_wait3A_523 = arith.constant 0 : i32
      %dma_wait3A_524 = tpu.memref_slice %arg12[%dma_wait3A_519, %dma_wait3A_523] : memref<3x128xi32, #tpu.memory_space<vmem>> -> memref<1x128xi32, #tpu.memory_space<vmem>>
      %dma_wait3A_525 = tpu.memref_squeeze %dma_wait3A_524 : memref<1x128xi32, #tpu.memory_space<vmem>> -> memref<128xi32, #tpu.memory_space<vmem>>
      %dma_wait3A_526 = arith.constant 0 : i32
      %dma_wait3A_527 = arith.constant 0 : i32
      %dma_wait3A_528 = tpu.memref_slice %arg4[%dma_wait3A_526, %dma_wait3A_527] : memref<196608x196xf32, #tpu.memory_space<hbm>> -> memref<196608x196xf32, #tpu.memory_space<hbm>>
      tpu.wait_indirect_dma semaphore(%arg14 : memref<!tpu.dma_semaphore, #tpu.memory_space<semaphore_mem>>) src(%dma_wait3A_522 : memref<128x196xf32, #tpu.memory_space<vmem>>) dst(%dma_wait3A_528 : memref<196608x196xf32, #tpu.memory_space<hbm>>)
      %dma_start3A_529 = arith.constant 2 : i32
      %dma_start3A_530 = arith.constant 256 : i32
      %dma_start3A_531 = arith.constant 0 : i32
      %dma_start3A_532 = tpu.memref_slice %arg11[%dma_start3A_530, %dma_start3A_531] : memref<384x196xf32, #tpu.memory_space<vmem>> -> memref<128x196xf32, #tpu.memory_space<vmem>>
      %dma_start3A_533 = arith.constant 0 : i32
      %dma_start3A_534 = tpu.memref_slice %arg12[%dma_start3A_529, %dma_start3A_533] : memref<3x128xi32, #tpu.memory_space<vmem>> -> memref<1x128xi32, #tpu.memory_space<vmem>>
      %dma_start3A_535 = tpu.memref_squeeze %dma_start3A_534 : memref<1x128xi32, #tpu.memory_space<vmem>> -> memref<128xi32, #tpu.memory_space<vmem>>
      %dma_start3A_536 = arith.constant 0 : i32
      %dma_start3A_537 = arith.constant 0 : i32
      %dma_start3A_538 = tpu.memref_slice %arg4[%dma_start3A_536, %dma_start3A_537] : memref<196608x196xf32, #tpu.memory_space<hbm>> -> memref<196608x196xf32, #tpu.memory_space<hbm>>
      tpu.enqueue_indirect_dma source(%dma_start3A_532 : memref<128x196xf32, #tpu.memory_space<vmem>>) target(%dma_start3A_538 : memref<196608x196xf32, #tpu.memory_space<hbm>>) offsets(%dma_start3A_535 : memref<128xi32, #tpu.memory_space<vmem>>) semaphore(%arg14 : memref<!tpu.dma_semaphore, #tpu.memory_space<semaphore_mem>>)
      %dma_wait3A_539 = arith.constant 2 : i32
      %dma_wait3A_540 = arith.constant 256 : i32
      %dma_wait3A_541 = arith.constant 0 : i32
      %dma_wait3A_542 = tpu.memref_slice %arg11[%dma_wait3A_540, %dma_wait3A_541] : memref<384x196xf32, #tpu.memory_space<vmem>> -> memref<128x196xf32, #tpu.memory_space<vmem>>
      %dma_wait3A_543 = arith.constant 0 : i32
      %dma_wait3A_544 = tpu.memref_slice %arg12[%dma_wait3A_539, %dma_wait3A_543] : memref<3x128xi32, #tpu.memory_space<vmem>> -> memref<1x128xi32, #tpu.memory_space<vmem>>
      %dma_wait3A_545 = tpu.memref_squeeze %dma_wait3A_544 : memref<1x128xi32, #tpu.memory_space<vmem>> -> memref<128xi32, #tpu.memory_space<vmem>>
      %dma_wait3A_546 = arith.constant 0 : i32
      %dma_wait3A_547 = arith.constant 0 : i32
      %dma_wait3A_548 = tpu.memref_slice %arg4[%dma_wait3A_546, %dma_wait3A_547] : memref<196608x196xf32, #tpu.memory_space<hbm>> -> memref<196608x196xf32, #tpu.memory_space<hbm>>
      tpu.wait_indirect_dma semaphore(%arg14 : memref<!tpu.dma_semaphore, #tpu.memory_space<semaphore_mem>>) src(%dma_wait3A_542 : memref<128x196xf32, #tpu.memory_space<vmem>>) dst(%dma_wait3A_548 : memref<196608x196xf32, #tpu.memory_space<hbm>>)
    }
    %scan3A_5 = arith.constant 16 : i32
    return
  }
}

</mosaic_0001>

<sc_bundles>
// kernel: kernel.3.cloned.1.call-start
scs
__scs_entry_jumppad:
0x0: {  	(pc) =	sbr.rel $0x88, $3  }
0x1: {  	(tag) =	ssettag $0x0;
	lr =	simm.s32 $0x1  }
0x2: {  	[smem:$0x3F9F] =	sst lr;
	_ =	strace $0xD0000000  }
0x3: {  	_ = 	snop  }
0x4: {  	_ = 	snop  }
0x5: {  	_ = 	snop  }
0x6: {  	_ = 	snop  }
0x7: {  	_ = 	snop  }
__scs_overlays_trampoline_lowered:
0x8: {  	[smem:$0x3FAE] =	sst s0  }
0x9: {  	[smem:$0x3FAF] =	sst s1  }
0xa: {  	[smem:$0x3FB0] =	sst s2  }
0xb: {  	[smem:$0x3FB1] =	sst s3  }
0xc: {  	[smem:$0x3FB2] =	sst s4  }
0xd: {  	[smem:$0x3FB3] =	sst s5  }
0xe: {  	[smem:$0x3FB4] =	sst s6  }
0xf: {  	[smem:$0x3FB5] =	sst s7  }
0x10: {  	[smem:$0x3FB6] =	sst s8  }
0x11: {  	[smem:$0x3FB7] =	sst s9;
	s0 =	simm.s32 @!p0 $0x0  }
0x12: {  	s1 =	sld [smem:$0x3F9D];
	s0 =	simm.s32 @p0 $0x1  }
0x13: {  	[smem:$0x3FB8] =	sst s0;
	s0 =	simm.s32 @!p1 $0x0  }
0x14: {  	s2 =	sld [smem:$0x3F9C];
	s0 =	simm.s32 @p1 $0x1  }
0x15: {  	[smem:$0x3FB9] =	sst s0;
	s0 =	simm.s32 @!p2 $0x0  }
0x16: {  	s3 =	sld [smem:$0x3FDB];
	s0 =	simm.s32 @p2 $0x1  }
0x17: {  	s4 =	simm.s32 $0x1BF5;
	[smem:$0x3FBB] =	sst s0  }
0x18: {  	s0 =	sld [smem:$0x3F9E];
	_ =	swait.ge [sflag:s4], $0x0  }
0x19: {  	s7 =	sld [smem:$0x3F9F]  }
0x1a: {  	s8 =	sadd.s32 $0xFFFFE003, lr  }
0x1b: {  	s9 =	sadd.s32 $0xFFFFFEF7, lr;
	s5 =	simm.s32 $0xFFFFFFFF;
	p2 =	slt.u32 s8, $0xFFFFF086  }
0x1c: {  	p1 =	slt.u32 s9, $0xF7A;
	s5 =	simm.s32 @!p2 $0x0  }
0x1d: {  	s5 =	simm.s32 @p1 $0x1;
	p0 =	seq.s32 s7, s2  }
0x1e: {  	s7 =	smul.u32 @!p0 $0xF7A, s2;
	p2 =	seq.s32 @!p0 s5, $0x0  }
0x1f: {  	s9 =	smul.u32 $0xF7A, s1;
	s8 =	simm.s32 @!p0 $0x1BF5;
	p2 =	por !p2, p0  }
0x20: {  	[sflag:s8] =	ssyncset.s32 @!p0 $0xFFFFF086;
	s6 =	sadd.s32 @!p0 s3, s7;
	s7 =	simm.s32 @!p0 $0x108  }
0x21: {  	s3 =	sadd.s32 s3, s9;
	s6 =	sadd.s32 @!p0 $0x88, s6;
	s7 =	simm.s32 @p2 $0x1082  }
0x22: {  	[simem:s7], [sflag:s8] =	dma.local @!p0 [hbm:s6], $0xF7A  }
0x23: {  	s9 =	sor.u32 $0xD0000000, s2;
	s6 =	simm.s32 $0x108;
	_ =	swait.ge @!p0 [sflag:s8], $0x0  }
0x24: {  	s3 =	sadd.s32 $0x88, s3;
	s6 =	simm.s32 @!p1 $0x1082;
	[sflag:s4] =	ssyncset.s32 $0xFFFFF086  }
0x25: {  	[simem:s6], [sflag:s4] =	dma.local [hbm:s3], $0xF7A  }
0x26: {  	[smem:$0x3F9F] =	sst s1;
	(tag) =	ssettag s2;
	_ =	strace s9  }
0x27: {  	s1 =	sld [smem:$0x3FAF]  }
0x28: {  	s2 =	sld [smem:$0x3FB0]  }
0x29: {  	s4 =	sld [smem:$0x3FB2]  }
0x2a: {  	p0 =	seq.s32 s5, $0x0;
	s5 =	sld [smem:$0x3FB3]  }
0x2b: {  	s6 =	sld [smem:$0x3FB4]  }
0x2c: {  	s7 =	sld [smem:$0x3FB5]  }
0x2d: {  	s3 =	simm.s32 $0x108;
	s8 =	sld [smem:$0x3FB6]  }
0x2e: {  	s3 =	simm.s32 @!p0 $0x1082;
	s9 =	sld [smem:$0x3FB7]  }
0x2f: {  	lr =	sadd.s32 s0, s3;
	s0 =	sld [smem:$0x3FAE]  }
0x30: {  	s3 =	sld [smem:$0x3FB1]  }
0x31: {  	[smem:$0x3FBA] =	sst s10  }
0x32: {  	s10 =	sld [smem:$0x3FB8];
	_ =	sdelay $0x3  }
0x33: {  	p0 =	seq.s32 s10, $0x1;
	s10 =	sld [smem:$0x3FBA];
	_ =	sdelay $0x3  }
0x34: {  	[smem:$0x3FBA] =	sst s10  }
0x35: {  	s10 =	sld [smem:$0x3FB9];
	_ =	sdelay $0x3  }
0x36: {  	p1 =	seq.s32 s10, $0x1;
	s10 =	sld [smem:$0x3FBA];
	_ =	sdelay $0x3  }
0x37: {  	[smem:$0x3FBA] =	sst s10  }
0x38: {  	s10 =	sld [smem:$0x3FBB]  }
0x39: {  	_ = 	snop;
	(pc) =	sbr.ind lr, $3  }
0x3a: {  	_ = 	snop  }
0x3b: {  	_ = 	snop  }
0x3c: {  	p2 =	seq.s32 s10, $0x1;
	s10 =	sld [smem:$0x3FBA]  }
0x3d: {  	_ =	shalt  }
0x3e: {  	_ =	shalt  }
0x3f: {  	_ =	shalt  }
0x40: {  	_ =	shalt  }
0x41: {  	_ =	shalt  }
0x42: {  	_ =	shalt  }
0x43: {  	_ =	shalt  }
0x44: {  	_ =	shalt  }
0x45: {  	_ =	shalt  }
0x46: {  	_ =	shalt  }
0x47: {  	_ =	shalt  }
0x48: {  	_ =	shalt  }
0x49: {  	_ =	shalt  }
0x4a: {  	_ =	shalt  }
0x4b: {  	_ =	shalt  }
0x4c: {  	_ =	shalt  }
0x4d: {  	_ =	shalt  }
0x4e: {  	_ =	shalt  }
0x4f: {  	_ =	shalt  }
0x50: {  	_ =	shalt  }
0x51: {  	_ =	shalt  }
0x52: {  	_ =	shalt  }
0x53: {  	_ =	shalt  }
0x54: {  	_ =	shalt  }
0x55: {  	_ =	shalt  }
0x56: {  	_ =	shalt  }
0x57: {  	_ =	shalt  }
0x58: {  	_ =	shalt  }
0x59: {  	_ =	shalt  }
0x5a: {  	_ =	shalt  }
0x5b: {  	_ =	shalt  }
0x5c: {  	_ =	shalt  }
0x5d: {  	_ =	shalt  }
0x5e: {  	_ =	shalt  }
0x5f: {  	_ =	shalt  }
0x60: {  	_ =	shalt  }
0x61: {  	_ =	shalt  }
0x62: {  	_ =	shalt  }
0x63: {  	_ =	shalt  }
0x64: {  	_ =	shalt  }
0x65: {  	_ =	shalt  }
0x66: {  	_ =	shalt  }
0x67: {  	_ =	shalt  }
0x68: {  	_ =	shalt  }
0x69: {  	_ =	shalt  }
0x6a: {  	_ =	shalt  }
0x6b: {  	_ =	shalt  }
0x6c: {  	_ =	shalt  }
0x6d: {  	_ =	shalt  }
0x6e: {  	_ =	shalt  }
0x6f: {  	_ =	shalt  }
0x70: {  	_ =	shalt  }
0x71: {  	_ =	shalt  }
0x72: {  	_ =	shalt  }
0x73: {  	_ =	shalt  }
0x74: {  	_ =	shalt  }
0x75: {  	_ =	shalt  }
0x76: {  	_ =	shalt  }
0x77: {  	_ =	shalt  }
0x78: {  	_ =	shalt  }
0x79: {  	_ =	shalt  }
0x7a: {  	_ =	shalt  }
0x7b: {  	_ =	shalt  }
0x7c: {  	_ =	shalt  }
0x7d: {  	_ =	shalt  }
0x7e: {  	_ =	shalt  }
0x7f: {  	_ =	shalt  }
0x80: {  	_ =	shalt  }
0x81: {  	_ =	shalt  }
0x82: {  	_ =	shalt  }
0x83: {  	_ =	shalt  }
0x84: {  	_ =	shalt  }
0x85: {  	_ =	shalt  }
0x86: {  	_ =	shalt  }
0x87: {  	_ =	shalt  }
.Lfunc_end0:
.L_simem_size_0:
called_computation.1_lowered:
.L_overlay_start_0:
0x88: {  	s2 =	sld [smem:$0x3FD9]  }
0x89: {  	s3 =	sld [smem:$0x3FFE];
	_ =	sdelay $0x1  }
0x8a: {  	s1 =	srdreg.scid  }
0x8b: {  	s0 =	sand.u32 $0x1, s1  }
0x8c: {  	s17 =	sshll.u32 s0, $0xA;
	s2 =	sadd.s32 s3, s2  }
0x8d: {  	s2 =	sadd.s32 s2, s17  }
0x8e: {  	[smem:$0x3FC6] =	sst s2  }
0x8f: {  	_ = 	snop  }
0x90: {  	s2 =	sld [smem:$0x3FD0];
	(tm) =	ssettm $0x1  }
0x91: {  	s18 =	sld [smem:$0x3FFB];
	_ =	sdelay $0x3  }
0x92: {  	_ =	strace s18  }
0x93: {  	s3 =	sld [smem:$0x3FFC];
	_ =	sdelay $0x3  }
0x94: {  	_ =	strace s3  }
0x95: {  	s3 =	sld [smem:$0x3FFD];
	_ =	sdelay $0x3  }
0x96: {  	_ =	strace s3  }
0x97: {  	_ =	strace $0x8FFFFFFF  }
0x98: {  	s19 =	sld [smem:$0x3FDB];
	_ =	sdelay $0x1  }
0x99: {  	s4 =	simm.s32 $_scs_section_size  }
0x9a: {  	s5 =	simm.s32 $_size__tile_overlayer_lowered;
	s6 =	simm.s32 $_tile_overlayer_lowered  }
0x9b: {  	s22 =	simm.s32 $0x1BFF;
	s21 =	sshll.u32 s6, $0x1;
	s3 =	sadd.s32 s4, s19  }
0x9c: {  	s7 =	simm.s32 $0x0;
	s20 =	sshll.u32 s5, $0x1;
	s5 =	sadd.s32 s21, s3  }
0x9d: {  	[timem:s7], [sflag:s22] =	dma.local [hbm:s5], s20  }
0x9e: {  	_ =	swait.ge [sflag:s22], s20  }
0x9f: {  	s4 =	ssub.s32 $0x0, s20;
	[sflag:s22] =	ssyncset.done $0x0  }
0xa0: {  	[sflag:s22] =	ssyncadd.s32 s4;
	_ =	sdelay $0x1  }
0xa1: {  	s23 =	simm.s32 $0x1B8B  }
0xa2: {  	_ =	swait.ge [sflag:s23], $0x1  }
0xa3: {  	[sflag:s23] =	ssyncset.done $0x0  }
0xa4: {  	s25 =	simm.s32 $0x1B8E;
	s24 =	sld [smem:$0x3FFE];
	[sflag:s23] =	ssyncadd.s32 $0xFFFFFFFF  }
0xa5: {  	s26 =	simm.s32 $execute0_lowered;
	[smem:$0x3FD2] =	sst s25  }
0xa6: {  	s5 =	sshll.u32 s26, $0x1;
	_ =	strace $0x80000046;
	[dreg:$0x1] =	wrdreg $0xFFFFFFFF  }
0xa7: {  	s28 =	simm.s32 $_size_execute0_lowered;
	s3 =	sadd.s32 s3, s5;
	[dreg:$0x0] =	wrdreg $0x0  }
0xa8: {  	s5 =	sshll.u32 s28, $0x1;
	[dreg:$0x2] =	wrdreg s3  }
0xa9: {  	[dreg:$0x3] =	wrdreg s5  }
0xaa: {  	[dreg:$0x4] =	wrdreg $0xC0  }
0xab: {  	_ =	task [dreg:s7], $0x5FFFF  }
0xac: {  	[dreg:$0x1] =	wrdreg $0xFFFFFFFF  }
0xad: {  	[dreg:$0x0] =	wrdreg $0x60  }
0xae: {  	[dreg:$0x2] =	wrdreg s2  }
0xaf: {  	[dreg:$0x3] =	wrdreg s24  }
0xb0: {  	[dreg:$0x4] =	wrdreg $0x9  }
0xb1: {  	_ =	task.clear_ibuf [dreg:s7], $0x5FFFF;
	_ =	strace $0x90000046  }
0xb2: {  	s29 =	simm.s32 $0x9;
	_ =	strace $0x80000048  }
0xb3: {  	_ =	swait.ge [sflag:s29], $0x1  }
0xb4: {  	[sflag:s29] =	ssyncadd.s32 $0xFFFFFFFF  }
0xb5: {  	_ =	strace $0x90000048  }
0xb6: {  	_ =	sfence  }
0xb7: {  	s30 =	sld [smem:$0x0];
	_ =	sdelay $0x2  }
0xb8: {  	s31 =	sshll.u32 s1, $0xD;
	s1 =	sshrl.u32 s1, $0x2  }
0xb9: {  	s3 =	sand.u32 $0x4000, s31;
	s1 =	sadd.s32 s1, s30  }
0xba: {  	s0 =	sor.u32 s3, s0;
	s1 =	sshll.u32 s1, $0x11  }
0xbb: {  	s0 =	sor.u32 s1, s0  }
0xbc: {  	s0 =	sadd.s32 $0x8F2B, s0  }
0xbd: {  	[sflag:s0] =	ssyncadd.remote.s32 $0x1  }
0xbe: {  	_ =	sfence.sel $0xFFFF  }
0xbf: {  	[dreg:$0x0] =	wrdreg $0xFFFFFFFF;
	(pc) =	sbr.abs _section_cstart, $3  }
0xc0: {  	[dreg:$0x1] =	wrdreg $0xFFFFFFFF  }
0xc1: {  	_ =	task.clear_ibuf [dreg:s7], $0x2FFFF;
	_ =	strace $0x9FFFFFFF  }
0xc2: {  	(tm) =	ssettm $0x7FFFFFFF  }
0xc3: {  	_ =	shalt  }
tec
execute0_lowered:
.L_overlay_start_1:
0x0: {  	(tag) =	ssettag $0x1  }
0x1: {  	v0 =	vimm.f32 $1.653846140e+00;
	vm0 =	vcmask $0x300  }
0x2: {  	vm1 =	vcmask $0x704;
	v0 =	vsel vm0, $0x3F000000, v0  }
0x3: {  	vm15 =	vcmask $0xB08;
	v0 =	vsel vm1, $0x3F13B13B, v0  }
0x4: {  	vm4 =	vcmask $0xF0C;
	v0 =	vsel vm15, $0x3F276276, v0  }
0x5: {  	vm5 =	vcmask $0x1310;
	v0 =	vsel vm4, $0x3F3B13B2, v0  }
0x6: {  	s1 =	rddreg [dreg:$0x0];
	v1 =	vimm.f32 $1.400000000e+01;
	vm6 =	vcmask $0x1714;
	v0 =	vsel vm5, $0x3F4EC4EC, v0  }
0x7: {  	s0 =	rddreg [dreg:$0x1];
	_ =	strace $0x80000047;
	vm7 =	vcmask $0x1B18;
	vm8 =	vcmask $0x1F1C;
	v0 =	vsel vm6, $0x3F627628, v0  }
0x8: {  	(erf) = vrcp.f32 v1;
	v1 =	vimm.f32 $2.230000000e+02;
	v0 =	vsel vm7, $0x3F762763, v0  }
0x9: {  	vm9 =	vcmask $0x2320;
	(erf) = vrcp.f32 v1;
	v0 =	vsel vm8, $0x3F84EC4F, v0  }
0xa: {  	s2 =	srdreg.scid;
	s5 =	stileid.u32;
	vm10 =	vcmask $0x2724;
	s9 =	simm.s32 $0x1000;
	v0 =	vsel vm9, $0x3F8EC4EC, v0  }
0xb: {  	vm11 =	vcmask $0x2B28;
	s10 =	simm.s32 $0x1040;
	s11 =	simm.s32 $0x60;
	s12 =	simm.s32 $0x1080;
	v0 =	vsel vm10, $0x3F989D8A, v0  }
0xc: {  	vm12 =	vcmask $0x2F2C;
	s13 =	simm.s32 $0x1140;
	s14 =	simm.s32 $0x10E0;
	s15 =	simm.s32 $0x4140;
	v0 =	vsel vm11, $0x3FA27628, v0  }
0xd: {  	vm13 =	vcmask $0x3330;
	s16 =	simm.s32 $0x1;
	s17 =	simm.s32 $0x80;
	s2 =	sand.u32 $0x1, s2;
	v1 =	vsel vm12, $0x3FAC4EC5, v0  }
0xe: {  	s20 =	simm.s32 $0x2;
	s24 =	simm.s32 $0x13940;
	s28 =	ssub.s32 $0x2, s2;
	v2 =	vsel vm13, $0x3FB62763, v1  }
0xf: {  	vm14 =	vcmask $0x3734;
	v3 =	vimm.s32 $0x0;
	s29 =	simm.s32 $0x0;
	s3 =	sadd.s32 $0x800, s0;
	s30 =	sshrl.u32 s28, $0x1;
	v0 =	vlaneseq.u32  }
0x10: {  	s4 =	sadd.s32 $0xA00, s0;
	s31 =	sshll.u32 s5, $0x5;
	vm15 =	vcmask $0x3B38;
	s0 =	ssub.s32 s28, s30;
	v1 =	vmul.u32 $0x80, v0;
	v4 =	vsel vm14, $0x3FC00000, v2  }
0x11: {  	v9 =	vsel vm0, $0x3, v3;
	[dreg:$0x3] =	wrdreg s3;
	s2 =	sshll.u32 s2, $0x4;
	s0 =	smax.u32 s0, $0x1;
	v4 =	vsel vm15, $0x3FC9D89E, v4;
	v2 =	vpop (erf)  }
0x12: {  	s5 =	sor.u32 s2, s31;
	s2 =	simm.s32 $0x0;
	[dreg:$0x4] =	wrdreg s0;
	v5 =	vor.u32 $0x4800, v1;
	v7 =	vor.u32 $0x3000, v1;
	v8 =	vor.u32 $0x1800, v1;
	v6 =	vpop (erf)  }
.LBB2_1:
0x13: {  	[dreg:$0x5] =	wrdreg s2  }
0x14: {  	s0 =	rddreg [dreg:$0x3];
	s30 =	simm.s32 $0x0;
	s31 =	simm.s32 $0x3  }
0x15: {  	[tilespmem:s30], [sflag:$0x3] =	stream.linear.gather [hbm4b:s0+s30], $0x1000, $0x38;
	[tilespmem:$0x19EC0] =	vst v63  }
0x16: {  	_ =	swait.ge [sflag:s31], $0x1000  }
0x17: {  	[sflag:s31] =	ssyncset.done $0x0  }
0x18: {  	s26 =	simm.s32 $0x0;
	[sflag:s31] =	ssyncadd.s32 $0xFFFFF000  }
.LBB2_2:
0x19: {  	s28 =	sadd.s32 s5, s26  }
0x1a: {  	s0 =	sshll.u32 s28, $0x3  }
0x1b: {  	v10 =	vmov s0  }
0x1c: {  	v11 =	vor.u32 $0x1, v10  }
0x1d: {  	v12 =	vor.u32 $0x3, v10;
	_ =	sdelay $0x1  }
0x1e: {  	v13 =	vor.u32 $0x2, v10  }
0x1f: {  	v14 =	vor.u32 $0x4, v10  }
0x20: {  	v11 =	vld.idx.msk [tilespmem:v11+s29+$0x0], $0xffff  }
0x21: {  	v12 =	vld.idx.msk [tilespmem:v12+s29+$0x0], $0xffff;
	_ =	sdelay $0x1  }
0x22: {  	v13 =	vld.idx.msk [tilespmem:v13+s29+$0x0], $0xffff  }
0x23: {  	v14 =	vld.idx.msk [tilespmem:v14+s29+$0x0], $0xffff;
	_ =	sdelay $0x1  }
0x24: {  	v11 =	vmul.f32 $2.240000000e+02, v11;
	v12 =	vmul.f32 $2.240000000e+02, v12;
	_ =	sdelay $0x1  }
0x25: {  	v12 =	vsub.f32 v12, v11  }
0x26: {  	v13 =	vmul.f32 $2.240000000e+02, v13;
	v14 =	vmul.f32 $2.240000000e+02, v14  }
0x27: {  	v12 =	vmul.f32 v12, v2  }
0x28: {  	v14 =	vsub.f32 v14, v13  }
0x29: {  	v12 =	vmul.f32 v4, v12  }
0x2a: {  	v50 =	vmul.f32 v14, v2  }
0x2b: {  	v11 =	vadd.f32 v12, v11  }
0x2c: {  	v12 =	vmul.f32 v4, v50  }
0x2d: {  	v11 =	vmul.f32 v11, v6  }
0x2e: {  	v12 =	vadd.f32 v12, v13  }
0x2f: {  	v11 =	vadd.f32 v11, v11  }
0x30: {  	v12 =	vmul.f32 v12, v6  }
0x31: {  	v11 =	vadd.f32 $-1.000000000e+00, v11  }
0x32: {  	v12 =	vadd.f32 v12, v12  }
0x33: {  	v11 =	vadd.f32 $1.000000000e+00, v11  }
0x34: {  	v12 =	vadd.f32 $-1.000000000e+00, v12  }
0x35: {  	v11 =	vmul.f32 $2.240000000e+02, v11  }
0x36: {  	v12 =	vadd.f32 $1.000000000e+00, v12  }
0x37: {  	v11 =	vadd.f32 $-1.000000000e+00, v11  }
0x38: {  	v12 =	vmul.f32 $2.240000000e+02, v12  }
0x39: {  	v10 =	vld.idx.msk [tilespmem:v10+s29+$0x0], $0xffff;
	v11 =	vmul.f32 $5.000000000e-01, v11  }
0x3a: {  	v12 =	vadd.f32 $-1.000000000e+00, v12  }
0x3b: {  	v51 =	vtrunc.f32 v11  }
0x3c: {  	v12 =	vmul.f32 $5.000000000e-01, v12;
	v52 =	vcvt.f32.s32 v51;
	vm0 =	vlt.f32 v11, v51  }
0x3d: {  	v13 =	vsel vm0, $0xFFFFFFFF, v3  }
0x3e: {  	v10 =	vtrunc.f32 v10;
	v15 =	vtrunc.f32 v12;
	v13 =	vadd.s32 v52, v13  }
0x3f: {  	v53 =	vcvt.f32.s32 v15;
	vm7 =	vlt.f32 v12, v15;
	v14 =	vcvt.s32.f32 v13  }
0x40: {  	v54 =	vadd.s32 $0x1, v13;
	vm1 =	vgt.s32 v13, $0x0;
	v16 =	vsel vm7, $0xFFFFFFFF, v3  }
0x41: {  	v17 =	vnsel vm1, $0x0, v13;
	vm8 =	vgt.s32 v54, $0x0;
	vm12 =	vlt.u32 v54, $0xE0  }
0x42: {  	v11 =	vsub.f32 v11, v14;
	v14 =	vadd.s32 v53, v16;
	v55 =	vmin.u32 v17, $0xDF  }
0x43: {  	v56 =	vnsel vm8, $0x0, v54;
	v18 =	vcvt.s32.f32 v14;
	vm9 =	vgt.s32 v14, $0x0  }
0x44: {  	v17 =	vmin.u32 v56, $0xDF;
	v19 =	vadd.s32 $0x1, v14;
	[tilespmem:$0x1000] =	vst v55;
	v57 =	vnsel vm9, $0x0, v14  }
0x45: {  	vm10 =	vgt.s32 v19, $0x0;
	v58 =	vsub.f32 $1.000000000e+00, v11;
	[tilespmem:$0x1010] =	vst v17;
	v11 =	vnsel vm12, $0x0, v11  }
0x46: {  	v12 =	vsub.f32 v12, v18;
	v18 =	vmin.u32 v57, $0xDF;
	v59 =	vnsel vm10, $0x0, v19;
	[tilespmem:$0x1050] =	vst v11  }
0x47: {  	v10 =	vcvt.f32.s32 v10;
	vm11 =	vlt.u32 v13, $0xE0;
	v60 =	vmin.u32 v59, $0xDF;
	[tilespmem:$0x1020] =	vst v18  }
0x48: {  	vm14 =	vlt.u32 v19, $0xE0;
	v61 =	vnsel vm11, $0x0, v58;
	v62 =	vsub.f32 $1.000000000e+00, v12;
	[tilespmem:$0x1030] =	vst v60  }
0x49: {  	vm13 =	vlt.u32 v14, $0xE0;
	[tilespmem:$0x1040] =	vst v61;
	v11 =	vnsel vm14, $0x0, v12  }
0x4a: {  	vm15 =	vgt.s32 v10, $0x0;
	[tilespmem:$0x1070] =	vst v11;
	v63 =	vnsel vm13, $0x0, v62  }
0x4b: {  	s30 =	simm.s32 $0x0;
	s31 =	simm.s32 $0x0;
	v10 =	vsel vm15, $0xC400, v3;
	[tilespmem:$0x1060] =	vst v63  }
.LBB2_3:
0x4c: {  	s0 =	sshll.u32 s31, $0x4  }
0x4d: {  	s0 =	smin.u32 s0, $0xB4  }
0x4e: {  	v11 =	vadd.s32 s0, v0  }
0x4f: {  	v12 =	vmulhi.u32 $0x12492493, v11;
	_ =	sdelay $0x1  }
0x50: {  	v13 =	vadd.s32 $0x20, v12  }
0x51: {  	v14 =	vmul.u32 $0xFFFFFFF2, v12;
	_ =	sdelay $0x1  }
0x52: {  	v11 =	vadd.s32 v11, v14;
	_ =	sdelay $0x1  }
0x53: {  	v12 =	vadd.s32 $0x30, v12;
	v15 =	vld.idx.msk [tilespmem:v13+s9+$0x0], $0xffff  }
0x54: {  	v14 =	vadd.s32 $0x10, v11;
	_ =	sdelay $0x1  }
0x55: {  	v16 =	vld.idx.msk [tilespmem:v11+s9+$0x0], $0xffff;
	_ =	sdelay $0x1  }
0x56: {  	v18 =	vld.idx.msk [tilespmem:v12+s9+$0x0], $0xffff;
	v15 =	vmul.u32 $0xE0, v15  }
0x57: {  	v17 =	vld.idx.msk [tilespmem:v14+s9+$0x0], $0xffff  }
0x58: {  	v15 =	vadd.s32 v10, v15  }
0x59: {  	v22 =	vld.idx.msk [tilespmem:v14+s10+$0x0], $0xffff;
	v14 =	vadd.s32 v16, v15  }
0x5a: {  	v23 =	vld.idx.msk [tilespmem:v13+s10+$0x0], $0xffff;
	v13 =	vmul.u32 $0x3, v14  }
0x5b: {  	v24 =	vld.idx.msk [tilespmem:v12+s10+$0x0], $0xffff  }
0x5c: {  	v11 =	vld.idx.msk [tilespmem:v11+s10+$0x0], $0xffff;
	v12 =	vmul.u32 $0xE0, v18;
	v14 =	vadd.s32 v17, v15;
	[tilespmem:$0x1080] =	vst v13;
	v15 =	vadd.s32 $0x1, v13  }
0x5d: {  	v14 =	vmul.u32 $0x3, v14;
	v13 =	vadd.s32 $0x2, v13;
	[tilespmem:$0x1090] =	vst v15  }
0x5e: {  	v12 =	vadd.s32 v10, v12;
	[tilespmem:$0x10A0] =	vst v13  }
0x5f: {  	v13 =	vadd.s32 v16, v12;
	[tilespmem:$0x10B0] =	vst v14;
	v15 =	vadd.s32 $0x1, v14  }
0x60: {  	v14 =	vadd.s32 $0x2, v14;
	v12 =	vadd.s32 v17, v12;
	[tilespmem:$0x10C0] =	vst v15;
	v13 =	vmul.u32 $0x3, v13  }
0x61: {  	[tilespmem:$0x10D0] =	vst v14;
	v12 =	vmul.u32 $0x3, v12  }
0x62: {  	[tilespmem:$0x10E0] =	vst v13  }
0x63: {  	s7 =	sand.u32 $0xFFFFFF80, s29;
	v14 =	vadd.s32 $0x1, v13;
	[tilespmem:$0x1110] =	vst v12  }
0x64: {  	s3 =	ssub.s32 $0xFFFFFFF8, s7;
	v13 =	vadd.s32 $0x2, v13;
	[tilespmem:$0x10F0] =	vst v14  }
0x65: {  	s2 =	sadd.s32 $0xC, s3;
	[tilespmem:$0x1100] =	vst v13;
	v13 =	vadd.s32 $0x1, v12  }
0x66: {  	v12 =	vadd.s32 $0x2, v12;
	[tilespmem:$0x1120] =	vst v13;
	v13 =	vmov s2  }
0x67: {  	s8 =	sand.u32 $0x30, s29;
	[tilespmem:$0x1130] =	vst v12;
	v12 =	vshrl.u32 v13, $0x3  }
0x68: {  	[tilespmem:s13], [sflag:$0x1] =	stream.indirect.gather [hbm4b:s1+s11], $0x80, s12, s11, $0xb8;
	v13 =	vmov s8;
	v12 =	vshll.u32 v12, v9;
	[tilespmem:$0x19EC0] =	vst v63  }
0x69: {  	v13 =	vshll.u32 v13, $0x7;
	v12 =	vbroadcast v12, $0x0  }
0x6a: {  	[tilespmem:s15], [sflag:$0x1] =	stream.indirect.gather [hbm4b:s1+s11], $0x80, s14, s11, $0xb8;
	v18 =	vor.u32 v1, v13;
	[tilespmem:$0x19EC0] =	vst v63  }
0x6b: {  	v21 =	vadd.s32 v8, v13;
	_ =	swait.ge [sflag:s16], $0x3000;
	v14 =	vadd.s32 v12, v18  }
0x6c: {  	[sflag:s16] =	ssyncset.done $0x0;
	v15 =	vadd.s32 v12, v21;
	v14 =	vor.u32 $0x4, v14  }
0x6d: {  	v20 =	vadd.s32 v7, v13;
	[sflag:s16] =	ssyncadd.s32 $0xFFFFD000;
	v15 =	vor.u32 $0x4, v15  }
0x6e: {  	v16 =	vadd.s32 v12, v20;
	_ =	swait.ge [sflag:s16], $0x3000  }
0x6f: {  	v19 =	vadd.s32 v5, v13;
	v13 =	vor.u32 $0x4, v16;
	[sflag:s16] =	ssyncset.done $0x0  }
0x70: {  	v12 =	vadd.s32 v12, v19;
	[sflag:s16] =	ssyncadd.s32 $0xFFFFD000  }
0x71: {  	s18 =	ssub.s32 $0x0, s7;
	v17 =	vor.u32 $0x4, v12;
	v16 =	vld.idx.msk [tilespmem:v14+s13+$0x0], $0xffff  }
0x72: {  	s23 =	sadd.s32 $0x1, s18;
	s25 =	sadd.s32 $0x2, s18;
	v15 =	vld.idx.msk [tilespmem:v15+s13+$0x0], $0xffff  }
0x73: {  	s19 =	sadd.s32 $0xB, s3;
	s3 =	sadd.s32 $0xF, s3;
	v26 =	vmov s23;
	v27 =	vmov s25  }
0x74: {  	v36 =	vmov s3;
	v26 =	vshrl.u32 v26, $0x3;
	v27 =	vshrl.u32 v27, $0x3;
	v25 =	vld.idx.msk [tilespmem:v13+s13+$0x0], $0xffff  }
0x75: {  	s0 =	sadd.s32 $0x5, s18;
	v36 =	vshrl.u32 v36, $0x3;
	v13 =	vmul.f32 v23, v11;
	v14 =	vmul.f32 v23, v22  }
0x76: {  	v27 =	vshll.u32 v27, v9;
	v12 =	vmul.f32 v24, v11;
	v23 =	vmov s0;
	v17 =	vld.idx.msk [tilespmem:v17+s13+$0x0], $0xffff  }
0x77: {  	s2 =	sadd.s32 $0x6, s18;
	v11 =	vshrl.u32 v23, $0x3;
	v16 =	vmul.f32 v16, v13;
	v15 =	vmul.f32 v15, v14  }
0x78: {  	v33 =	vmov s2;
	v23 =	vshll.u32 v11, v9;
	v11 =	vmul.f32 v24, v22  }
0x79: {  	v22 =	vbroadcast v23, $0x0;
	v15 =	vadd.f32 v15, v16;
	v16 =	vmul.f32 v25, v12  }
0x7a: {  	s21 =	simm.s32 $0x0;
	v36 =	vshll.u32 v36, v9;
	v27 =	vbroadcast v27, $0x0;
	v33 =	vshrl.u32 v33, $0x3  }
0x7b: {  	s0 =	sand.u32 $0x78, s21;
	v24 =	vadd.s32 v22, v18;
	v15 =	vadd.f32 v16, v15;
	v16 =	vmul.f32 v17, v11  }
0x7c: {  	s6 =	smin.u32 s30, $0xB4;
	v25 =	vadd.s32 v22, v21;
	v17 =	vor.u32 $0x5, v24;
	v24 =	vmov s0  }
0x7d: {  	s22 =	sand.u32 $0xF4, s6;
	v25 =	vor.u32 $0x5, v25;
	v24 =	vshrl.u32 v24, $0x3;
	v15 =	vadd.f32 v16, v15  }
0x7e: {  	s7 =	simm.s32 $0x8;
	v33 =	vshll.u32 v33, v9;
	s0 =	sadd.s32 $0x7460, s22;
	v16 =	vadd.s32 v22, v20;
	v24 =	vshll.u32 v24, v9  }
0x7f: {  	s8 =	sand.u32 $0xFFFFFF80, s7;
	v16 =	vor.u32 $0x5, v16;
	v24 =	vbroadcast v24, $0x0;
	[tilespmem:s0+$0x0] =	vst v15;
	v15 =	vadd.s32 v22, v19  }
0x80: {  	v36 =	vbroadcast v36, $0x0;
	s6 =	ssub.s32 $0x8, s8;
	v33 =	vbroadcast v33, $0x0;
	v15 =	vor.u32 $0x5, v15  }
0x81: {  	s23 =	sadd.s32 $0x5, s6;
	s25 =	sadd.s32 $0x1, s6;
	v35 =	vadd.s32 v27, v21;
	v22 =	vshll.u32 v26, v9;
	v17 =	vld.idx.msk [tilespmem:v17+s13+$0x0], $0xffff;
	v26 =	vor.u32 v24, v18  }
0x82: {  	s2 =	ssub.s32 $0x0, s8;
	v62 =	vmov s23;
	v63 =	vmov s25;
	v25 =	vld.idx.msk [tilespmem:v25+s13+$0x0], $0xffff;
	v28 =	vor.u32 v24, v21  }
0x83: {  	v49 =	vor.u32 $0x2, v35;
	v43 =	vshrl.u32 v63, $0x3;
	v34 =	vadd.s32 v33, v21;
	s21 =	sadd.s32 $0xB, s2  }
0x84: {  	v34 =	vor.u32 $0x6, v34;
	v58 =	vmov s21;
	v23 =	vmov s19;
	s19 =	sadd.s32 $0xC, s2;
	v16 =	vld.idx.msk [tilespmem:v16+s13+$0x0], $0xffff  }
0x85: {  	v23 =	vshrl.u32 v23, $0x3;
	v37 =	vmov s19;
	v29 =	vor.u32 v24, v20;
	v15 =	vld.idx.msk [tilespmem:v15+s13+$0x0], $0xffff  }
0x86: {  	v23 =	vshll.u32 v23, v9;
	v37 =	vshrl.u32 v37, $0x3;
	v22 =	vbroadcast v22, $0x0;
	v26 =	vld.idx.msk [tilespmem:v26+s13+$0x0], $0xffff  }
0x87: {  	v24 =	vor.u32 v24, v19;
	v17 =	vmul.f32 v17, v13;
	v25 =	vmul.f32 v25, v14;
	v28 =	vld.idx.msk [tilespmem:v28+s13+$0x0], $0xffff  }
0x88: {  	v30 =	vadd.s32 v22, v18;
	v31 =	vadd.s32 v22, v21;
	v32 =	vadd.s32 v22, v20  }
0x89: {  	v22 =	vadd.s32 v22, v19;
	v17 =	vadd.f32 v25, v17;
	v16 =	vmul.f32 v16, v12  }
0x8a: {  	v23 =	vbroadcast v23, $0x0;
	v37 =	vshll.u32 v37, v9;
	v25 =	vld.idx.msk [tilespmem:v29+s13+$0x0], $0xffff;
	v29 =	vor.u32 $0x1, v22  }
0x8b: {  	s22 =	simm.s32 $0x8;
	v22 =	vadd.s32 v33, v18;
	v16 =	vadd.f32 v16, v17;
	v15 =	vmul.f32 v15, v11  }
0x8c: {  	s3 =	sand.u32 $0x78, s22;
	v24 =	vld.idx.msk [tilespmem:v24+s13+$0x0], $0xffff;
	v17 =	vor.u32 $0x6, v22;
	v26 =	vmul.f32 v26, v13;
	v28 =	vmul.f32 v28, v14  }
0x8d: {  	v61 =	vmov s3;
	v30 =	vor.u32 $0x1, v30;
	v15 =	vadd.f32 v15, v16  }
0x8e: {  	v31 =	vor.u32 $0x1, v31;
	v16 =	vadd.s32 v33, v20;
	v26 =	vadd.f32 v28, v26  }
0x8f: {  	v25 =	vmul.f32 v25, v12;
	v16 =	vor.u32 $0x6, v16;
	[tilespmem:s0+$0xC8] =	vst v15;
	v15 =	vadd.s32 v33, v19  }
0x90: {  	v32 =	vor.u32 $0x1, v32;
	v22 =	vadd.s32 v27, v18;
	v50 =	vor.u32 $0x6, v15  }
0x91: {  	v28 =	vadd.s32 v27, v20;
	v17 =	vld.idx.msk [tilespmem:v17+s13+$0x0], $0xffff;
	v15 =	vmul.f32 v24, v11;
	v24 =	vadd.f32 v25, v26  }
0x92: {  	v22 =	vor.u32 $0x2, v22;
	v25 =	vadd.s32 v27, v19;
	v26 =	vld.idx.msk [tilespmem:v34+s13+$0x0], $0xffff;
	v27 =	vor.u32 $0x2, v28  }
0x93: {  	v28 =	vadd.s32 v23, v18;
	v18 =	vadd.s32 v36, v18;
	v24 =	vadd.f32 v15, v24  }
0x94: {  	s18 =	simm.s32 $0x1;
	v25 =	vor.u32 $0x2, v25;
	v15 =	vor.u32 $0x3, v28;
	v28 =	vadd.s32 v23, v21;
	v51 =	vld.idx.msk [tilespmem:v16+s13+$0x0], $0xffff  }
0x95: {  	s7 =	sand.u32 $0x30, s18;
	v53 =	vor.u32 $0x7, v18;
	v21 =	vadd.s32 v36, v21;
	v16 =	vor.u32 $0x3, v28;
	[tilespmem:s0+$0xFFFFFCE0] =	vst v24;
	v35 =	vld.idx.msk [tilespmem:v50+s13+$0x0], $0xffff  }
0x96: {  	v28 =	vmov s7;
	v54 =	vor.u32 $0x7, v21;
	v24 =	vbroadcast v37, $0x0;
	v30 =	vld.idx.msk [tilespmem:v30+s13+$0x0], $0xffff  }
0x97: {  	v28 =	vshll.u32 v28, $0x7;
	v38 =	vmul.f32 v17, v13;
	v26 =	vmul.f32 v26, v14;
	v31 =	vld.idx.msk [tilespmem:v31+s13+$0x0], $0xffff  }
0x98: {  	v17 =	vor.u32 v1, v28;
	v18 =	vadd.s32 v8, v28;
	v39 =	vld.idx.msk [tilespmem:v29+s13+$0x0], $0xffff;
	v29 =	vadd.s32 v36, v19  }
0x99: {  	v32 =	vld.idx.msk [tilespmem:v32+s13+$0x0], $0xffff;
	v37 =	vadd.s32 v24, v17;
	v26 =	vadd.f32 v26, v38;
	v34 =	vmul.f32 v51, v12  }
0x9a: {  	v55 =	vadd.s32 v24, v18;
	v56 =	vor.u32 $0x7, v29;
	v38 =	vshrl.u32 v62, $0x3  }
0x9b: {  	v41 =	vshll.u32 v38, v9;
	v26 =	vadd.f32 v34, v26;
	v52 =	vmul.f32 v35, v11  }
0x9c: {  	v37 =	vor.u32 $0x4, v37;
	v42 =	vbroadcast v41, $0x0;
	v34 =	vor.u32 $0x4, v55  }
0x9d: {  	v29 =	vmul.f32 v30, v13;
	v21 =	vadd.f32 v52, v26;
	v26 =	vadd.s32 v36, v20  }
0x9e: {  	v30 =	vmul.f32 v31, v14;
	v32 =	vmul.f32 v32, v12;
	v26 =	vor.u32 $0x7, v26  }
0x9f: {  	v59 =	vmul.f32 v39, v11;
	v20 =	vadd.s32 v23, v20;
	[tilespmem:s0+$0x190] =	vst v21;
	v21 =	vadd.s32 v7, v28  }
0xa0: {  	v23 =	vadd.s32 v23, v19;
	v19 =	vor.u32 $0x3, v20;
	v20 =	vld.idx.msk [tilespmem:v53+s13+$0x0], $0xffff;
	v31 =	vadd.s32 v24, v21  }
0xa1: {  	v30 =	vadd.f32 v30, v29;
	v28 =	vadd.s32 v5, v28;
	v57 =	vld.idx.msk [tilespmem:v54+s13+$0x0], $0xffff;
	v31 =	vor.u32 $0x4, v31  }
0xa2: {  	v35 =	vshrl.u32 v61, $0x3;
	v37 =	vld.idx.msk [tilespmem:v37+s13+$0x0], $0xffff;
	v29 =	vor.u32 $0x3, v23;
	v24 =	vadd.s32 v24, v28  }
0xa3: {  	v23 =	vshrl.u32 v58, $0x3;
	v30 =	vadd.f32 v32, v30;
	v24 =	vor.u32 $0x4, v24;
	v26 =	vld.idx.msk [tilespmem:v26+s13+$0x0], $0xffff  }
0xa4: {  	s19 =	simm.s32 $0x2;
	v35 =	vshll.u32 v35, v9;
	v45 =	vadd.s32 v42, v17;
	v23 =	vshll.u32 v23, v9;
	v34 =	vld.idx.msk [tilespmem:v34+s13+$0x0], $0xffff  }
0xa5: {  	s7 =	sand.u32 $0x30, s19;
	v46 =	vor.u32 $0x5, v45;
	v60 =	vld.idx.msk [tilespmem:v56+s13+$0x0], $0xffff;
	v23 =	vbroadcast v23, $0x0;
	v30 =	vadd.f32 v59, v30  }
0xa6: {  	v59 =	vmov s7;
	v20 =	vmul.f32 v20, v13;
	v36 =	vmul.f32 v57, v14;
	v31 =	vld.idx.msk [tilespmem:v31+s13+$0x0], $0xffff  }
0xa7: {  	v40 =	vmul.f32 v37, v13;
	v37 =	vshll.u32 v43, v9;
	v62 =	vshll.u32 v59, $0x7;
	[tilespmem:s0+$0xFFFFFDA8] =	vst v30  }
0xa8: {  	v30 =	vadd.s32 v42, v18;
	v24 =	vld.idx.msk [tilespmem:v24+s13+$0x0], $0xffff;
	v20 =	vadd.f32 v36, v20;
	v26 =	vmul.f32 v26, v12  }
0xa9: {  	s8 =	sadd.s32 $0x2, s6;
	v37 =	vbroadcast v37, $0x0;
	v30 =	vor.u32 $0x5, v30;
	v34 =	vmul.f32 v34, v14  }
0xaa: {  	v33 =	vld.idx.msk [tilespmem:v49+s13+$0x0], $0xffff;
	v49 =	vmov s8;
	v20 =	vadd.f32 v26, v20;
	v26 =	vbroadcast v35, $0x0  }
0xab: {  	v32 =	vmul.f32 v60, v11;
	v34 =	vadd.f32 v34, v40;
	v31 =	vmul.f32 v31, v12  }
0xac: {  	v39 =	vshrl.u32 v49, $0x3;
	v51 =	vadd.s32 v37, v17;
	v44 =	vor.u32 v26, v17  }
0xad: {  	v25 =	vld.idx.msk [tilespmem:v25+s13+$0x0], $0xffff;
	v41 =	vadd.s32 v37, v21;
	v24 =	vmul.f32 v24, v11;
	v31 =	vadd.f32 v31, v34  }
0xae: {  	v50 =	vshll.u32 v39, v9;
	v39 =	vor.u32 $0x1, v51;
	v40 =	vadd.s32 v37, v18  }
0xaf: {  	v22 =	vld.idx.msk [tilespmem:v22+s13+$0x0], $0xffff;
	v47 =	vor.u32 v26, v18;
	v24 =	vadd.f32 v24, v31;
	v31 =	vadd.s32 v42, v21  }
0xb0: {  	s3 =	sadd.s32 $0x640, s0;
	v27 =	vld.idx.msk [tilespmem:v27+s13+$0x0], $0xffff;
	v37 =	vadd.s32 v37, v28;
	v20 =	vadd.f32 v32, v20;
	v31 =	vor.u32 $0x5, v31  }
0xb1: {  	v41 =	vor.u32 $0x1, v41;
	v48 =	vor.u32 v26, v21;
	v32 =	vld.idx.msk [tilespmem:v44+s13+$0x0], $0xffff;
	[tilespmem:s3+$0x0] =	vst v24;
	v24 =	vadd.s32 v42, v28  }
0xb2: {  	s6 =	sadd.s32 $0x6, s6;
	v40 =	vor.u32 $0x1, v40;
	v43 =	vmul.f32 v25, v11;
	v34 =	vld.idx.msk [tilespmem:v46+s13+$0x0], $0xffff;
	v24 =	vor.u32 $0x5, v24  }
0xb3: {  	s18 =	simm.s32 $0x10;
	v25 =	vmov s6;
	v35 =	vbroadcast v50, $0x0;
	v26 =	vor.u32 v26, v28;
	v30 =	vld.idx.msk [tilespmem:v30+s13+$0x0], $0xffff  }
0xb4: {  	v37 =	vor.u32 $0x1, v37;
	v22 =	vmul.f32 v22, v13;
	s6 =	sand.u32 $0xFFFFFF80, s18;
	v25 =	vshrl.u32 v25, $0x3;
	v36 =	vld.idx.msk [tilespmem:v47+s13+$0x0], $0xffff  }
0xb5: {  	v27 =	vmul.f32 v27, v12;
	s8 =	ssub.s32 $0x8, s6;
	s25 =	ssub.s32 $0x10, s6;
	v25 =	vshll.u32 v25, v9;
	v52 =	vadd.s32 v35, v17;
	v31 =	vld.idx.msk [tilespmem:v31+s13+$0x0], $0xffff  }
0xb6: {  	s18 =	sadd.s32 $0xC, s8;
	s6 =	sadd.s32 $0x1, s25;
	v53 =	vadd.s32 v35, v18;
	v25 =	vbroadcast v25, $0x0;
	v55 =	vadd.s32 v35, v21;
	v38 =	vld.idx.msk [tilespmem:v48+s13+$0x0], $0xffff  }
0xb7: {  	v35 =	vadd.s32 v35, v28;
	v60 =	vmov s18;
	v59 =	vmov s6;
	v24 =	vld.idx.msk [tilespmem:v24+s13+$0x0], $0xffff  }
0xb8: {  	v35 =	vor.u32 $0x2, v35;
	v26 =	vld.idx.msk [tilespmem:v26+s13+$0x0], $0xffff;
	v34 =	vmul.f32 v34, v13;
	v30 =	vmul.f32 v30, v14  }
0xb9: {  	v63 =	vshrl.u32 v60, $0x3;
	v44 =	vmul.f32 v32, v13;
	v36 =	vmul.f32 v36, v14  }
0xba: {  	v54 =	vadd.s32 v25, v17;
	v30 =	vadd.f32 v30, v34;
	v31 =	vmul.f32 v31, v12  }
0xbb: {  	v45 =	vadd.s32 v25, v18;
	v38 =	vmul.f32 v38, v12;
	v36 =	vadd.f32 v36, v44  }
0xbc: {  	s18 =	sadd.s32 $0x5, s25;
	v30 =	vadd.f32 v31, v30;
	v24 =	vmul.f32 v24, v11;
	v31 =	vor.u32 $0x6, v54  }
0xbd: {  	v60 =	vmov s18;
	v56 =	vor.u32 $0x6, v45;
	v26 =	vmul.f32 v26, v11  }
0xbe: {  	v36 =	vadd.f32 v38, v36;
	v24 =	vadd.f32 v24, v30;
	v30 =	vadd.s32 v25, v21  }
0xbf: {  	v42 =	vmul.f32 v33, v14;
	v33 =	vor.u32 $0x2, v52;
	v30 =	vor.u32 $0x6, v30  }
0xc0: {  	s21 =	sadd.s32 $0xB, s8;
	v32 =	vor.u32 $0x2, v53;
	v36 =	vadd.f32 v26, v36;
	[tilespmem:s3+$0xC8] =	vst v24;
	v24 =	vadd.s32 v25, v28  }
0xc1: {  	v54 =	vmov s21;
	v25 =	vadd.f32 v42, v22;
	v31 =	vld.idx.msk [tilespmem:v31+s13+$0x0], $0xffff;
	v57 =	vor.u32 $0x6, v24  }
0xc2: {  	[tilespmem:s3+$0xFFFFFCE0] =	vst v36;
	v22 =	vadd.s32 v23, v17;
	v42 =	vshrl.u32 v54, $0x3;
	v58 =	vld.idx.msk [tilespmem:v56+s13+$0x0], $0xffff;
	v24 =	vadd.s32 v23, v18  }
0xc3: {  	v39 =	vld.idx.msk [tilespmem:v39+s13+$0x0], $0xffff;
	v56 =	vshll.u32 v42, v9;
	v27 =	vadd.f32 v27, v25;
	v25 =	vadd.s32 v23, v21  }
0xc4: {  	s2 =	sadd.s32 $0xF, s2;
	v26 =	vor.u32 $0x3, v24;
	v23 =	vadd.s32 v23, v28;
	v24 =	vor.u32 $0x3, v25;
	v30 =	vld.idx.msk [tilespmem:v30+s13+$0x0], $0xffff  }
0xc5: {  	v25 =	vor.u32 $0x3, v23;
	v23 =	vadd.f32 v43, v27;
	v27 =	vmov s2  }
0xc6: {  	v34 =	vor.u32 $0x2, v55;
	v45 =	vbroadcast v56, $0x0;
	v27 =	vshrl.u32 v27, $0x3;
	v38 =	vld.idx.msk [tilespmem:v57+s13+$0x0], $0xffff  }
0xc7: {  	v31 =	vmul.f32 v31, v13;
	v61 =	vmul.f32 v58, v14;
	v27 =	vshll.u32 v27, v9  }
0xc8: {  	v39 =	vmul.f32 v39, v13;
	[tilespmem:s0+$0xFFFFFE70] =	vst v23;
	v23 =	vor.u32 v1, v62;
	v48 =	vbroadcast v27, $0x0  }
0xc9: {  	v49 =	vld.idx.msk [tilespmem:v41+s13+$0x0], $0xffff;
	v27 =	vshll.u32 v63, v9;
	v31 =	vadd.f32 v61, v31;
	v30 =	vmul.f32 v30, v12  }
0xca: {  	v40 =	vld.idx.msk [tilespmem:v40+s13+$0x0], $0xffff;
	v50 =	vbroadcast v27, $0x0;
	v17 =	vadd.s32 v48, v17;
	v18 =	vadd.s32 v48, v18  }
0xcb: {  	v37 =	vld.idx.msk [tilespmem:v37+s13+$0x0], $0xffff;
	v17 =	vor.u32 $0x7, v17;
	v30 =	vadd.f32 v30, v31;
	v31 =	vmul.f32 v38, v11  }
0xcc: {  	v15 =	vld.idx.msk [tilespmem:v15+s13+$0x0], $0xffff;
	v27 =	vadd.s32 v8, v62;
	v21 =	vadd.s32 v48, v21;
	v18 =	vor.u32 $0x7, v18  }
0xcd: {  	v52 =	vld.idx.msk [tilespmem:v29+s13+$0x0], $0xffff;
	v51 =	vadd.s32 v50, v23;
	v21 =	vor.u32 $0x7, v21;
	v30 =	vadd.f32 v31, v30  }
0xce: {  	v36 =	vmul.f32 v49, v12;
	v16 =	vld.idx.msk [tilespmem:v16+s13+$0x0], $0xffff;
	v38 =	vor.u32 $0x4, v51;
	v31 =	vadd.s32 v50, v27  }
0xcf: {  	v19 =	vld.idx.msk [tilespmem:v19+s13+$0x0], $0xffff;
	v29 =	vor.u32 $0x4, v31;
	v31 =	vmul.f32 v40, v14;
	[tilespmem:s3+$0x190] =	vst v30;
	v30 =	vadd.s32 v48, v28  }
0xd0: {  	v37 =	vmul.f32 v37, v11;
	v28 =	vadd.s32 v7, v62;
	v17 =	vld.idx.msk [tilespmem:v17+s13+$0x0], $0xffff;
	v30 =	vor.u32 $0x7, v30  }
0xd1: {  	v53 =	vadd.s32 v50, v28;
	v39 =	vadd.f32 v31, v39;
	v18 =	vld.idx.msk [tilespmem:v18+s13+$0x0], $0xffff;
	v31 =	vadd.s32 v5, v62  }
0xd2: {  	s19 =	sadd.s32 $0x2, s25;
	v55 =	vld.idx.msk [tilespmem:v21+s13+$0x0], $0xffff;
	v21 =	vmul.f32 v15, v13;
	v15 =	vmul.f32 v52, v11;
	v40 =	vor.u32 $0x4, v53  }
0xd3: {  	s22 =	simm.s32 $0x10;
	v38 =	vld.idx.msk [tilespmem:v38+s13+$0x0], $0xffff;
	v41 =	vadd.s32 v50, v31;
	v50 =	vmov s19;
	v39 =	vadd.f32 v36, v39  }
0xd4: {  	s23 =	sand.u32 $0x78, s22;
	v41 =	vor.u32 $0x4, v41;
	v36 =	vmul.f32 v16, v14;
	v43 =	vshrl.u32 v50, $0x3  }
0xd5: {  	v57 =	vld.idx.msk [tilespmem:v29+s13+$0x0], $0xffff;
	v29 =	vmul.f32 v19, v12;
	v19 =	vmov s23;
	v51 =	vshll.u32 v43, v9  }
0xd6: {  	v16 =	vadd.f32 v37, v39;
	v19 =	vshrl.u32 v19, $0x3;
	v39 =	vshrl.u32 v59, $0x3  }
0xd7: {  	v36 =	vadd.f32 v36, v21;
	v17 =	vmul.f32 v17, v13;
	v18 =	vmul.f32 v18, v14  }
0xd8: {  	v30 =	vld.idx.msk [tilespmem:v30+s13+$0x0], $0xffff;
	v19 =	vshll.u32 v19, v9;
	v38 =	vmul.f32 v38, v13;
	v39 =	vshll.u32 v39, v9  }
0xd9: {  	s6 =	simm.s32 $0x3;
	v58 =	vld.idx.msk [tilespmem:v40+s13+$0x0], $0xffff;
	v40 =	vshrl.u32 v60, $0x3;
	v19 =	vbroadcast v19, $0x0;
	v39 =	vbroadcast v39, $0x0  }
0xda: {  	s19 =	sand.u32 $0x30, s6;
	v17 =	vadd.f32 v18, v17;
	v18 =	vmul.f32 v55, v12;
	v40 =	vshll.u32 v40, v9  }
0xdb: {  	v21 =	vmov s19;
	v41 =	vld.idx.msk [tilespmem:v41+s13+$0x0], $0xffff;
	v42 =	vmul.f32 v57, v14;
	v40 =	vbroadcast v40, $0x0  }
0xdc: {  	[tilespmem:s3+$0xFFFFFDA8] =	vst v16;
	v16 =	vor.u32 v19, v23;
	v62 =	vor.u32 v19, v27;
	v63 =	vor.u32 v19, v28  }
0xdd: {  	v33 =	vld.idx.msk [tilespmem:v33+s13+$0x0], $0xffff;
	v19 =	vor.u32 v19, v31;
	v17 =	vadd.f32 v18, v17;
	v18 =	vmul.f32 v30, v11  }
0xde: {  	v32 =	vld.idx.msk [tilespmem:v32+s13+$0x0], $0xffff;
	v52 =	vadd.s32 v39, v23;
	v38 =	vadd.f32 v42, v38;
	v37 =	vmul.f32 v58, v12  }
0xdf: {  	v35 =	vld.idx.msk [tilespmem:v35+s13+$0x0], $0xffff;
	v30 =	vadd.f32 v18, v17;
	v17 =	vadd.s32 v40, v23;
	v18 =	vadd.s32 v40, v27  }
0xe0: {  	v34 =	vld.idx.msk [tilespmem:v34+s13+$0x0], $0xffff;
	v61 =	vmul.f32 v41, v11;
	v37 =	vadd.f32 v37, v38;
	v17 =	vor.u32 $0x5, v17  }
0xe1: {  	v53 =	vadd.s32 v39, v27;
	v46 =	vadd.s32 v39, v28;
	v18 =	vor.u32 $0x5, v18;
	v16 =	vld.idx.msk [tilespmem:v16+s13+$0x0], $0xffff  }
0xe2: {  	s2 =	sadd.s32 $0x6, s25;
	v39 =	vadd.s32 v39, v31;
	v49 =	vadd.s32 v40, v28;
	v54 =	vld.idx.msk [tilespmem:v62+s13+$0x0], $0xffff;
	v37 =	vadd.f32 v61, v37  }
0xe3: {  	s7 =	sadd.s32 $0x640, s3;
	v47 =	vor.u32 $0x1, v52;
	v58 =	vmov s2;
	v38 =	vor.u32 $0x5, v49;
	v56 =	vld.idx.msk [tilespmem:v63+s13+$0x0], $0xffff  }
0xe4: {  	s21 =	simm.s32 $0x18;
	v40 =	vadd.s32 v40, v31;
	v49 =	vmul.f32 v35, v11;
	v35 =	vshrl.u32 v58, $0x3;
	v19 =	vld.idx.msk [tilespmem:v19+s13+$0x0], $0xffff;
	[tilespmem:s7+$0x0] =	vst v37  }
0xe5: {  	s22 =	sand.u32 $0xFFFFFF80, s21;
	v44 =	vor.u32 $0x1, v53;
	v40 =	vor.u32 $0x5, v40;
	v35 =	vshll.u32 v35, v9;
	v17 =	vld.idx.msk [tilespmem:v17+s13+$0x0], $0xffff  }
0xe6: {  	v46 =	vor.u32 $0x1, v46;
	s2 =	ssub.s32 $0x10, s22;
	v43 =	vmul.f32 v33, v13;
	v60 =	vbroadcast v35, $0x0;
	v18 =	vld.idx.msk [tilespmem:v18+s13+$0x0], $0xffff  }
0xe7: {  	v39 =	vor.u32 $0x1, v39;
	v55 =	vmul.f32 v32, v14;
	v48 =	vmul.f32 v34, v12;
	s23 =	sadd.s32 $0xC, s2  }
0xe8: {  	v58 =	vmov s23;
	v37 =	vbroadcast v51, $0x0;
	v62 =	vadd.s32 v60, v23;
	v38 =	vld.idx.msk [tilespmem:v38+s13+$0x0], $0xffff  }
0xe9: {  	v63 =	vadd.s32 v60, v27;
	v16 =	vmul.f32 v16, v13;
	v50 =	vmul.f32 v54, v14  }
0xea: {  	v40 =	vld.idx.msk [tilespmem:v40+s13+$0x0], $0xffff;
	v52 =	vmul.f32 v56, v12;
	v19 =	vmul.f32 v19, v11;
	v57 =	vadd.s32 v37, v23  }
0xeb: {  	v59 =	vadd.s32 v37, v27;
	v17 =	vmul.f32 v17, v13;
	v18 =	vmul.f32 v18, v14  }
0xec: {  	v61 =	vadd.s32 v37, v28;
	v53 =	vadd.s32 v37, v31;
	v16 =	vadd.f32 v50, v16  }
0xed: {  	v32 =	vor.u32 $0x2, v57;
	v17 =	vadd.f32 v18, v17;
	v18 =	vmul.f32 v38, v12  }
0xee: {  	v33 =	vor.u32 $0x2, v59;
	v50 =	vor.u32 $0x6, v63;
	v16 =	vadd.f32 v52, v16  }
0xef: {  	s8 =	sadd.s32 $0xF, s8;
	v34 =	vor.u32 $0x2, v61;
	v17 =	vadd.f32 v18, v17;
	v18 =	vmul.f32 v40, v11  }
0xf0: {  	v57 =	vmov s8;
	v38 =	vor.u32 $0x6, v62;
	v40 =	vadd.f32 v19, v16  }
0xf1: {  	v59 =	vshrl.u32 v58, $0x3;
	v16 =	vadd.s32 v45, v23;
	v17 =	vadd.f32 v18, v17  }
0xf2: {  	v19 =	vor.u32 $0x3, v16;
	v18 =	vadd.s32 v60, v28;
	[tilespmem:s7+$0xFFFFFCE0] =	vst v40;
	v40 =	vshll.u32 v59, v9  }
0xf3: {  	v54 =	vor.u32 $0x6, v18;
	v18 =	vadd.f32 v55, v43;
	[tilespmem:s7+$0xC8] =	vst v17;
	v17 =	vadd.s32 v60, v31  }
0xf4: {  	v16 =	vadd.s32 v45, v27;
	v47 =	vld.idx.msk [tilespmem:v47+s13+$0x0], $0xffff;
	v40 =	vbroadcast v40, $0x0;
	v55 =	vor.u32 $0x6, v17  }
0xf5: {  	v38 =	vld.idx.msk [tilespmem:v38+s13+$0x0], $0xffff;
	v43 =	vadd.f32 v48, v18;
	v18 =	vor.u32 $0x3, v16;
	v16 =	vadd.s32 v45, v28  }
0xf6: {  	v56 =	vld.idx.msk [tilespmem:v50+s13+$0x0], $0xffff;
	v45 =	vadd.s32 v45, v31;
	v48 =	vshll.u32 v21, $0x7;
	v21 =	vshrl.u32 v57, $0x3  }
0xf7: {  	v60 =	vld.idx.msk [tilespmem:v44+s13+$0x0], $0xffff;
	v17 =	vor.u32 $0x3, v16;
	v16 =	vor.u32 $0x3, v45;
	v45 =	vshll.u32 v21, v9  }
0xf8: {  	v61 =	vld.idx.msk [tilespmem:v46+s13+$0x0], $0xffff;
	v21 =	vor.u32 v1, v48;
	v43 =	vadd.f32 v49, v43;
	v45 =	vbroadcast v45, $0x0  }
0xf9: {  	v35 =	vor.u32 $0x2, v53;
	v49 =	vadd.s32 v40, v21;
	v37 =	vld.idx.msk [tilespmem:v54+s13+$0x0], $0xffff  }
0xfa: {  	v51 =	vmul.f32 v47, v13;
	v23 =	vadd.s32 v45, v23;
	[tilespmem:s3+$0xFFFFFE70] =	vst v43;
	v43 =	vor.u32 $0x4, v49;
	v41 =	vld.idx.msk [tilespmem:v55+s13+$0x0], $0xffff  }
0xfb: {  	v38 =	vmul.f32 v38, v13;
	v42 =	vmul.f32 v56, v14;
	v63 =	vor.u32 $0x7, v23;
	v52 =	vld.idx.msk [tilespmem:v24+s13+$0x0], $0xffff  }
0xfc: {  	v23 =	vadd.s32 v8, v48;
	v24 =	vmul.f32 v60, v14;
	v53 =	vld.idx.msk [tilespmem:v25+s13+$0x0], $0xffff;
	v25 =	vadd.s32 v7, v48  }
0xfd: {  	v22 =	vor.u32 $0x3, v22;
	v39 =	vld.idx.msk [tilespmem:v39+s13+$0x0], $0xffff;
	v50 =	vadd.s32 v40, v23;
	v56 =	vadd.s32 v40, v25  }
0xfe: {  	v38 =	vadd.f32 v42, v38;
	v57 =	vadd.f32 v24, v51;
	v24 =	vadd.s32 v5, v48  }
0xff: {  	v59 =	vor.u32 $0x4, v56;
	v37 =	vmul.f32 v37, v12;
	v40 =	vadd.s32 v40, v24  }
0x100: {  	v29 =	vadd.f32 v29, v36;
	v27 =	vadd.s32 v45, v27;
	v40 =	vor.u32 $0x4, v40  }
0x101: {  	v27 =	vor.u32 $0x7, v27;
	v43 =	vld.idx.msk [tilespmem:v43+s13+$0x0], $0xffff;
	v37 =	vadd.f32 v37, v38;
	v62 =	vmul.f32 v41, v11  }
0x102: {  	s18 =	ssub.s32 $0x18, s22;
	v54 =	vmul.f32 v61, v12;
	v39 =	vmul.f32 v39, v11;
	v28 =	vadd.s32 v45, v28;
	v22 =	vld.idx.msk [tilespmem:v22+s13+$0x0], $0xffff  }
0x103: {  	s21 =	sadd.s32 $0x1, s18;
	s22 =	sadd.s32 $0x5, s18;
	v31 =	vadd.s32 v45, v31;
	v26 =	vld.idx.msk [tilespmem:v26+s13+$0x0], $0xffff;
	v28 =	vor.u32 $0x7, v28;
	v37 =	vadd.f32 v62, v37  }
0x104: {  	v49 =	vmov s21;
	v38 =	vor.u32 $0x4, v50;
	v50 =	vmov s22;
	v62 =	vld.idx.msk [tilespmem:v59+s13+$0x0], $0xffff  }
0x105: {  	s25 =	sadd.s32 $0xB, s2;
	v31 =	vor.u32 $0x7, v31;
	v47 =	vshrl.u32 v50, $0x3;
	[tilespmem:s7+$0x190] =	vst v37;
	v37 =	vadd.f32 v54, v57;
	v40 =	vld.idx.msk [tilespmem:v40+s13+$0x0], $0xffff  }
0x106: {  	v43 =	vmul.f32 v43, v13;
	v54 =	vshrl.u32 v49, $0x3;
	v58 =	vld.idx.msk [tilespmem:v27+s13+$0x0], $0xffff;
	v27 =	vmov s25  }
0x107: {  	v55 =	vld.idx.msk [tilespmem:v63+s13+$0x0], $0xffff;
	s25 =	simm.s32 $0x18;
	v50 =	vshll.u32 v54, v9;
	v27 =	vshrl.u32 v27, $0x3;
	v37 =	vadd.f32 v39, v37  }
0x108: {  	v60 =	vld.idx.msk [tilespmem:v28+s13+$0x0], $0xffff;
	s19 =	sand.u32 $0x78, s25;
	v28 =	vshll.u32 v27, v9;
	v27 =	vmul.f32 v22, v13;
	v22 =	vmul.f32 v52, v12  }
0x109: {  	v38 =	vld.idx.msk [tilespmem:v38+s13+$0x0], $0xffff;
	v61 =	vmov s19;
	v39 =	vmul.f32 v62, v12;
	v41 =	vbroadcast v28, $0x0  }
0x10a: {  	v31 =	vld.idx.msk [tilespmem:v31+s13+$0x0], $0xffff;
	v52 =	vshll.u32 v47, v9;
	v28 =	vmul.f32 v26, v14;
	v26 =	vmul.f32 v53, v11  }
0x10b: {  	v36 =	vshrl.u32 v61, $0x3;
	v53 =	vbroadcast v52, $0x0;
	v62 =	vmul.f32 v40, v11  }
0x10c: {  	v36 =	vshll.u32 v36, v9;
	v40 =	vbroadcast v50, $0x0;
	v63 =	vmul.f32 v55, v13  }
0x10d: {  	v48 =	vmul.f32 v58, v14;
	v36 =	vbroadcast v36, $0x0  }
0x10e: {  	v51 =	vmul.f32 v60, v12;
	v38 =	vmul.f32 v38, v14  }
0x10f: {  	[tilespmem:s7+$0xFFFFFDA8] =	vst v37;
	v31 =	vmul.f32 v31, v11;
	v42 =	vadd.f32 v48, v63;
	v55 =	vor.u32 v36, v21  }
0x110: {  	v32 =	vld.idx.msk [tilespmem:v32+s13+$0x0], $0xffff;
	v60 =	vadd.s32 v53, v21;
	v45 =	vadd.s32 v53, v23;
	v57 =	vor.u32 v36, v23  }
0x111: {  	v33 =	vld.idx.msk [tilespmem:v33+s13+$0x0], $0xffff;
	v38 =	vadd.f32 v38, v43;
	v47 =	vor.u32 v36, v25;
	v42 =	vadd.f32 v51, v42  }
0x112: {  	v59 =	vld.idx.msk [tilespmem:v35+s13+$0x0], $0xffff;
	v56 =	vadd.s32 v53, v25;
	v63 =	vor.u32 $0x5, v60;
	v50 =	vor.u32 v36, v24  }
0x113: {  	v61 =	vadd.f32 v39, v38;
	v42 =	vadd.f32 v31, v42;
	v31 =	vor.u32 $0x5, v45;
	v45 =	vld.idx.msk [tilespmem:v34+s13+$0x0], $0xffff  }
0x114: {  	v52 =	vadd.s32 v53, v24;
	v58 =	vor.u32 $0x5, v56;
	v55 =	vld.idx.msk [tilespmem:v55+s13+$0x0], $0xffff  }
0x115: {  	s23 =	sadd.s32 $0x2, s18;
	v44 =	vor.u32 $0x5, v52;
	v56 =	vadd.s32 v40, v24;
	v37 =	vadd.f32 v62, v61;
	v46 =	vld.idx.msk [tilespmem:v57+s13+$0x0], $0xffff  }
0x116: {  	s8 =	sadd.s32 $0x640, s7;
	v60 =	vadd.s32 v40, v21;
	v51 =	vmov s23;
	v61 =	vadd.s32 v40, v23;
	v47 =	vld.idx.msk [tilespmem:v47+s13+$0x0], $0xffff  }
0x117: {  	s18 =	sadd.s32 $0x6, s18;
	v38 =	vor.u32 $0x1, v60;
	v53 =	vshrl.u32 v51, $0x3;
	v35 =	vor.u32 $0x1, v61;
	v61 =	vld.idx.msk [tilespmem:v50+s13+$0x0], $0xffff;
	[tilespmem:s8+$0x0] =	vst v37  }
0x118: {  	v60 =	vmov s18;
	v51 =	vmul.f32 v32, v13;
	v54 =	vshll.u32 v53, v9;
	v39 =	vld.idx.msk [tilespmem:v63+s13+$0x0], $0xffff  }
0x119: {  	v32 =	vshrl.u32 v60, $0x3;
	v62 =	vadd.s32 v40, v25;
	v40 =	vbroadcast v54, $0x0;
	v31 =	vld.idx.msk [tilespmem:v31+s13+$0x0], $0xffff  }
0x11a: {  	v36 =	vor.u32 $0x1, v56;
	v48 =	vmul.f32 v33, v14;
	v32 =	vshll.u32 v32, v9;
	v63 =	vld.idx.msk [tilespmem:v58+s13+$0x0], $0xffff  }
0x11b: {  	v34 =	vor.u32 $0x1, v62;
	v37 =	vmul.f32 v59, v11;
	v57 =	vld.idx.msk [tilespmem:v44+s13+$0x0], $0xffff;
	v58 =	vadd.s32 v40, v21  }
0x11c: {  	v62 =	vadd.s32 v40, v23;
	v45 =	vmul.f32 v45, v12;
	v52 =	vmul.f32 v55, v13  }
0x11d: {  	v56 =	vadd.s32 v40, v25;
	v46 =	vmul.f32 v46, v14;
	v47 =	vmul.f32 v47, v12  }
0x11e: {  	[tilespmem:s0+$0x258] =	vst v20;
	v20 =	vadd.s32 v40, v24;
	v39 =	vmul.f32 v39, v13;
	v59 =	vmul.f32 v31, v14  }
0x11f: {  	v20 =	vor.u32 $0x2, v20;
	v43 =	vmul.f32 v63, v12;
	v63 =	vbroadcast v32, $0x0  }
0x120: {  	v44 =	vmul.f32 v61, v11;
	v33 =	vmul.f32 v57, v11;
	v39 =	vadd.f32 v59, v39  }
0x121: {  	v46 =	vadd.f32 v46, v52;
	v31 =	vor.u32 $0x2, v58;
	v57 =	vadd.s32 v63, v21  }
0x122: {  	v58 =	vadd.s32 v63, v23;
	v49 =	vor.u32 $0x6, v57;
	v39 =	vadd.f32 v43, v39  }
0x123: {  	v61 =	vadd.f32 v48, v51;
	v60 =	vadd.s32 v63, v25;
	v59 =	vor.u32 $0x6, v58  }
0x124: {  	v47 =	vadd.f32 v47, v46;
	v46 =	vor.u32 $0x6, v60;
	v39 =	vadd.f32 v33, v39  }
0x125: {  	[tilespmem:s3+$0x258] =	vst v30;
	v32 =	vor.u32 $0x2, v62;
	v30 =	vadd.s32 v63, v24;
	v63 =	vadd.s32 v41, v21  }
0x126: {  	v62 =	vadd.f32 v44, v47;
	v44 =	vor.u32 $0x6, v30;
	v30 =	vadd.s32 v41, v23;
	[tilespmem:s8+$0xC8] =	vst v39  }
0x127: {  	[tilespmem:s7+$0x258] =	vst v42;
	v47 =	vadd.f32 v45, v61;
	v45 =	vadd.s32 v41, v25;
	v40 =	vor.u32 $0x3, v30;
	v42 =	vld.idx.msk [tilespmem:v49+s13+$0x0], $0xffff  }
0x128: {  	s18 =	simm.s32 $0x20;
	v30 =	vadd.s32 v41, v24;
	[tilespmem:s8+$0xFFFFFCE0] =	vst v62;
	v33 =	vor.u32 $0x2, v56;
	v39 =	vor.u32 $0x3, v63;
	v43 =	vld.idx.msk [tilespmem:v59+s13+$0x0], $0xffff  }
.LBB2_4:
0x129: {  	s19 =	sand.u32 $0xFFFFFF80, s18;
	v41 =	vor.u32 $0x3, v45;
	v30 =	vor.u32 $0x3, v30;
	v45 =	vld.idx.msk [tilespmem:v46+s13+$0x0], $0xffff;
	s6 =	sadd.s32 $0x1, s6;
	v37 =	vadd.f32 v37, v47  }
0x12a: {  	s22 =	sadd.s32 $0xF, s2;
	v46 =	vadd.f32 v28, v27;
	v27 =	vadd.f32 v15, v29;
	v15 =	vmov v26;
	s21 =	sand.u32 $0x30, s6;
	v38 =	vld.idx.msk [tilespmem:v38+s13+$0x0], $0xffff;
	s2 =	ssub.s32 s25, s19  }
0x12b: {  	v29 =	vmov s22;
	v26 =	vmov s21;
	s21 =	sadd.s32 $0xB, s2;
	s23 =	sadd.s32 $0xC, s2;
	v28 =	vld.idx.msk [tilespmem:v44+s13+$0x0], $0xffff;
	[tilespmem:s7+$0xFFFFFE70] =	vst v37  }
0x12c: {  	v29 =	vshrl.u32 v29, $0x3;
	v26 =	vshll.u32 v26, $0x7;
	v37 =	vmov s23;
	v35 =	vld.idx.msk [tilespmem:v35+s13+$0x0], $0xffff;
	[tilespmem:s0+$0xFFFFFF38] =	vst v27;
	s0 =	smov.u32 s3;
	s3 =	smov.u32 s7;
	s7 =	smov.u32 s8  }
0x12d: {  	v29 =	vshll.u32 v29, v9;
	v27 =	vld.idx.msk [tilespmem:v34+s13+$0x0], $0xffff;
	v34 =	vmul.f32 v42, v13;
	v42 =	vmul.f32 v43, v14  }
0x12e: {  	v43 =	vor.u32 v1, v26;
	v37 =	vshrl.u32 v37, $0x3;
	v29 =	vbroadcast v29, $0x0;
	v36 =	vld.idx.msk [tilespmem:v36+s13+$0x0], $0xffff  }
0x12f: {  	v37 =	vshll.u32 v37, v9;
	v34 =	vadd.f32 v42, v34;
	v42 =	vmul.f32 v45, v12;
	v44 =	vld.idx.msk [tilespmem:v19+s13+$0x0], $0xffff  }
0x130: {  	v37 =	vbroadcast v37, $0x0;
	v19 =	vadd.s32 v29, v21;
	v45 =	vadd.s32 v29, v23;
	v21 =	vmovc v43;
	v47 =	vld.idx.msk [tilespmem:v18+s13+$0x0], $0xffff  }
0x131: {  	v28 =	vmul.f32 v28, v11;
	v49 =	vadd.f32 v42, v34;
	v34 =	vor.u32 $0x7, v19;
	v42 =	vld.idx.msk [tilespmem:v17+s13+$0x0], $0xffff;
	v17 =	vmovc v41  }
0x132: {  	v23 =	vadd.s32 v8, v26;
	v48 =	vadd.s32 v37, v21;
	v41 =	vor.u32 $0x7, v45;
	v43 =	vld.idx.msk [tilespmem:v16+s13+$0x0], $0xffff;
	v16 =	vmovc v30  }
0x133: {  	v25 =	vadd.s32 v29, v25;
	v18 =	vmovc v40;
	v30 =	vor.u32 $0x4, v48;
	v19 =	vmovc v39;
	v28 =	vadd.f32 v28, v49  }
0x134: {  	v38 =	vmul.f32 v38, v13;
	v40 =	vor.u32 $0x7, v25;
	v39 =	vadd.s32 v37, v23  }
0x135: {  	v24 =	vadd.s32 v29, v24;
	v35 =	vmul.f32 v35, v14;
	v39 =	vor.u32 $0x4, v39;
	[tilespmem:s8+$0x190] =	vst v28  }
0x136: {  	v25 =	vadd.s32 v7, v26;
	v27 =	vmul.f32 v27, v12;
	v28 =	vor.u32 $0x7, v24;
	v34 =	vld.idx.msk [tilespmem:v34+s13+$0x0], $0xffff  }
0x137: {  	v29 =	vadd.s32 v37, v25;
	v35 =	vadd.f32 v35, v38;
	v36 =	vmul.f32 v36, v11;
	v38 =	vld.idx.msk [tilespmem:v41+s13+$0x0], $0xffff  }
0x138: {  	v45 =	vor.u32 $0x4, v29;
	v24 =	vadd.s32 v5, v26;
	v26 =	vmov s21;
	v41 =	vld.idx.msk [tilespmem:v30+s13+$0x0], $0xffff  }
0x139: {  	v35 =	vadd.f32 v27, v35;
	v26 =	vshrl.u32 v26, $0x3;
	v29 =	vadd.s32 v37, v24;
	v37 =	vld.idx.msk [tilespmem:v40+s13+$0x0], $0xffff  }
0x13a: {  	v27 =	vmul.f32 v44, v13;
	v26 =	vshll.u32 v26, v9;
	v40 =	vor.u32 $0x4, v29;
	v39 =	vld.idx.msk [tilespmem:v39+s13+$0x0], $0xffff  }
0x13b: {  	s25 =	sadd.s32 $0x8, s25;
	v35 =	vadd.f32 v36, v35;
	v30 =	vbroadcast v26, $0x0;
	v36 =	vld.idx.msk [tilespmem:v28+s13+$0x0], $0xffff;
	v28 =	vmul.f32 v47, v14  }
0x13c: {  	s19 =	ssub.s32 s25, s19;
	p0 =	slt.u32 s25, $0x178;
	s21 =	sand.u32 $0x78, s25;
	v26 =	vmul.f32 v43, v11;
	v29 =	vadd.f32 v22, v46;
	v22 =	vmul.f32 v42, v12  }
0x13d: {  	s22 =	sadd.s32 $0x2, s19;
	s23 =	sadd.s32 $0x5, s19;
	v42 =	vmov s21;
	s21 =	sadd.s32 $0x1, s19;
	v34 =	vmul.f32 v34, v13;
	v43 =	vld.idx.msk [tilespmem:v45+s13+$0x0], $0xffff;
	[tilespmem:s8+$0xFFFFFDA8] =	vst v35;
	v35 =	vmul.f32 v38, v14  }
0x13e: {  	v44 =	vmov s23;
	v38 =	vshrl.u32 v42, $0x3;
	v42 =	vmov s21;
	v31 =	vld.idx.msk [tilespmem:v31+s13+$0x0], $0xffff  }
0x13f: {  	v44 =	vshrl.u32 v44, $0x3;
	v40 =	vld.idx.msk [tilespmem:v40+s13+$0x0], $0xffff;
	v34 =	vadd.f32 v35, v34;
	v35 =	vmul.f32 v37, v12  }
0x140: {  	v37 =	vshll.u32 v38, v9;
	v38 =	vmul.f32 v41, v13;
	v41 =	vshll.u32 v44, v9;
	v32 =	vld.idx.msk [tilespmem:v32+s13+$0x0], $0xffff  }
0x141: {  	v39 =	vmul.f32 v39, v14;
	v33 =	vld.idx.msk [tilespmem:v33+s13+$0x0], $0xffff;
	v34 =	vadd.f32 v35, v34;
	v35 =	vmul.f32 v36, v11  }
0x142: {  	v41 =	vbroadcast v41, $0x0;
	v36 =	vbroadcast v37, $0x0;
	v37 =	vshrl.u32 v42, $0x3;
	v20 =	vld.idx.msk [tilespmem:v20+s13+$0x0], $0xffff  }
0x143: {  	v38 =	vadd.f32 v39, v38;
	v39 =	vmul.f32 v43, v12;
	v34 =	vadd.f32 v35, v34  }
0x144: {  	v42 =	vadd.s32 v41, v21;
	v43 =	vadd.s32 v41, v23;
	v35 =	vor.u32 v36, v21  }
0x145: {  	v38 =	vadd.f32 v39, v38;
	v39 =	vmul.f32 v40, v11;
	v40 =	vor.u32 $0x5, v42;
	[tilespmem:s8+$0x258] =	vst v34  }
0x146: {  	v43 =	vor.u32 $0x5, v43;
	v42 =	vor.u32 v36, v25;
	v34 =	vor.u32 v36, v23  }
0x147: {  	v44 =	vor.u32 v36, v24;
	v36 =	vadd.f32 v39, v38;
	v38 =	vadd.s32 v41, v25  }
0x148: {  	v37 =	vshll.u32 v37, v9;
	s8 =	sadd.s32 $0x640, s8;
	v39 =	vmov s22;
	v45 =	vor.u32 $0x5, v38  }
0x149: {  	v37 =	vbroadcast v37, $0x0;
	v46 =	vld.idx.msk [tilespmem:v35+s13+$0x0], $0xffff;
	v35 =	vshrl.u32 v39, $0x3;
	[tilespmem:s8+$0x0] =	vst v36;
	v36 =	vadd.s32 v41, v24  }
0x14a: {  	v47 =	vmul.f32 v31, v13;
	v39 =	vshll.u32 v35, v9;
	v40 =	vld.idx.msk [tilespmem:v40+s13+$0x0], $0xffff;
	v41 =	vor.u32 $0x5, v36  }
0x14b: {  	v31 =	vadd.s32 v37, v21;
	v35 =	vadd.s32 v37, v23;
	v36 =	vadd.s32 v37, v25;
	v43 =	vld.idx.msk [tilespmem:v43+s13+$0x0], $0xffff  }
0x14c: {  	v38 =	vor.u32 $0x1, v31;
	v35 =	vor.u32 $0x1, v35;
	v48 =	vld.idx.msk [tilespmem:v34+s13+$0x0], $0xffff;
	v34 =	vor.u32 $0x1, v36  }
0x14d: {  	v49 =	vmul.f32 v32, v14;
	v31 =	vadd.s32 v37, v24;
	v39 =	vbroadcast v39, $0x0;
	v45 =	vld.idx.msk [tilespmem:v45+s13+$0x0], $0xffff  }
0x14e: {  	s19 =	sadd.s32 $0x6, s19;
	v50 =	vmul.f32 v33, v12;
	v37 =	vmul.f32 v20, v11;
	v36 =	vor.u32 $0x1, v31;
	v42 =	vld.idx.msk [tilespmem:v42+s13+$0x0], $0xffff  }
0x14f: {  	v32 =	vmov s19;
	v31 =	vadd.s32 v39, v21;
	v20 =	vmul.f32 v46, v13;
	v33 =	vld.idx.msk [tilespmem:v41+s13+$0x0], $0xffff  }
0x150: {  	v32 =	vshrl.u32 v32, $0x3;
	v31 =	vor.u32 $0x2, v31;
	v41 =	vld.idx.msk [tilespmem:v44+s13+$0x0], $0xffff;
	v44 =	vadd.s32 v39, v23  }
0x151: {  	v46 =	vshll.u32 v32, v9;
	v40 =	vmul.f32 v40, v13;
	v43 =	vmul.f32 v43, v14  }
0x152: {  	v48 =	vmul.f32 v48, v14;
	v32 =	vor.u32 $0x2, v44;
	v44 =	vbroadcast v46, $0x0  }
0x153: {  	v46 =	vadd.s32 v39, v25;
	v40 =	vadd.f32 v43, v40;
	v43 =	vmul.f32 v45, v12  }
0x154: {  	v20 =	vadd.f32 v48, v20;
	v45 =	vadd.s32 v44, v21;
	v48 =	vadd.s32 v44, v23  }
0x155: {  	v40 =	vadd.f32 v43, v40;
	v43 =	vmul.f32 v33, v11;
	v45 =	vor.u32 $0x6, v45  }
0x156: {  	v42 =	vmul.f32 v42, v12;
	v48 =	vor.u32 $0x6, v48;
	v41 =	vmul.f32 v41, v11  }
0x157: {  	v33 =	vor.u32 $0x2, v46;
	v40 =	vadd.f32 v43, v40;
	v43 =	vadd.s32 v44, v25  }
.Ltmp0:
0x158: {  	v42 =	vadd.f32 v42, v20;
	v20 =	vadd.s32 v39, v24;
	v46 =	vor.u32 $0x6, v43;
	(pc) =	sbr.rel @p0 .LBB2_4-.Ltmp0, $4  }
0x159: {  	v39 =	vadd.s32 v44, v24;
	v20 =	vor.u32 $0x2, v20;
	[tilespmem:s8+$0xC8] =	vst v40;
	v40 =	vadd.f32 v49, v47  }
0x15a: {  	v44 =	vor.u32 $0x6, v39;
	v41 =	vadd.f32 v41, v42;
	v43 =	vadd.s32 v30, v21;
	v42 =	vld.idx.msk [tilespmem:v45+s13+$0x0], $0xffff  }
0x15b: {  	v39 =	vor.u32 $0x3, v43;
	v45 =	vadd.s32 v30, v23;
	v43 =	vld.idx.msk [tilespmem:v48+s13+$0x0], $0xffff;
	v47 =	vadd.f32 v50, v40  }
0x15c: {  	s18 =	sadd.s32 $0x8, s18;
	v40 =	vor.u32 $0x3, v45;
	v45 =	vadd.s32 v30, v25;
	v30 =	vadd.s32 v30, v24;
	[tilespmem:s8+$0xFFFFFCE0] =	vst v41  }
0x15d: {  	_ =	sdelay $0x3  }
0x15e: {  	v38 =	vld.idx.msk [tilespmem:v38+s13+$0x0], $0xffff  }
0x15f: {  	v35 =	vld.idx.msk [tilespmem:v35+s13+$0x0], $0xffff;
	_ =	sdelay $0x1  }
0x160: {  	v34 =	vld.idx.msk [tilespmem:v34+s13+$0x0], $0xffff;
	_ =	sdelay $0x1  }
0x161: {  	v36 =	vld.idx.msk [tilespmem:v36+s13+$0x0], $0xffff  }
0x162: {  	v38 =	vmul.f32 v38, v13;
	v35 =	vmul.f32 v35, v14;
	_ =	sdelay $0x1  }
0x163: {  	v34 =	vmul.f32 v34, v12;
	v35 =	vadd.f32 v35, v38;
	_ =	sdelay $0x1  }
0x164: {  	v36 =	vmul.f32 v36, v11;
	v34 =	vadd.f32 v34, v35;
	_ =	sdelay $0x1  }
0x165: {  	v34 =	vadd.f32 v36, v34  }
0x166: {  	v63 =	vld.idx.msk [tilespmem:v46+s13+$0x0], $0xffff  }
0x167: {  	v46 =	vld.idx.msk [tilespmem:v44+s13+$0x0], $0xffff;
	[tilespmem:s8+$0xFFFFFDA8] =	vst v34  }
0x168: {  	v31 =	vld.idx.msk [tilespmem:v31+s13+$0x0], $0xffff  }
0x169: {  	s2 =	sadd.s32 $0xF, s2;
	v32 =	vld.idx.msk [tilespmem:v32+s13+$0x0], $0xffff  }
0x16a: {  	v41 =	vmov s2  }
0x16b: {  	v48 =	vmul.f32 v42, v13;
	v34 =	vshrl.u32 v41, $0x3;
	v41 =	vmul.f32 v43, v14;
	v33 =	vld.idx.msk [tilespmem:v33+s13+$0x0], $0xffff  }
0x16c: {  	v35 =	vmul.f32 v63, v12;
	v34 =	vshll.u32 v34, v9  }
0x16d: {  	v36 =	vmul.f32 v46, v11;
	v20 =	vld.idx.msk [tilespmem:v20+s13+$0x0], $0xffff;
	v34 =	vbroadcast v34, $0x0;
	v38 =	vadd.f32 v41, v48  }
0x16e: {  	v37 =	vadd.f32 v37, v47;
	v31 =	vmul.f32 v31, v13;
	v32 =	vmul.f32 v32, v14  }
0x16f: {  	v21 =	vadd.s32 v34, v21;
	v23 =	vadd.s32 v34, v23;
	v35 =	vadd.f32 v35, v38  }
0x170: {  	[tilespmem:s7+$0xFFFFFE70] =	vst v37;
	v21 =	vor.u32 $0x7, v21;
	v33 =	vmul.f32 v33, v12;
	v31 =	vadd.f32 v32, v31  }
0x171: {  	v19 =	vld.idx.msk [tilespmem:v19+s13+$0x0], $0xffff;
	v23 =	vor.u32 $0x7, v23  }
0x172: {  	v18 =	vld.idx.msk [tilespmem:v18+s13+$0x0], $0xffff;
	v49 =	vadd.f32 v36, v35;
	v20 =	vmul.f32 v20, v11;
	v31 =	vadd.f32 v33, v31  }
0x173: {  	v17 =	vld.idx.msk [tilespmem:v17+s13+$0x0], $0xffff;
	v25 =	vadd.s32 v34, v25  }
0x174: {  	v16 =	vld.idx.msk [tilespmem:v16+s13+$0x0], $0xffff;
	v25 =	vor.u32 $0x7, v25;
	[tilespmem:s8+$0x190] =	vst v49;
	v20 =	vadd.f32 v20, v31  }
0x175: {  	v50 =	vor.u32 $0x3, v45;
	v24 =	vadd.s32 v34, v24;
	v21 =	vld.idx.msk [tilespmem:v21+s13+$0x0], $0xffff  }
0x176: {  	v24 =	vor.u32 $0x7, v24;
	v23 =	vld.idx.msk [tilespmem:v23+s13+$0x0], $0xffff;
	[tilespmem:s8+$0xFFFFFE70] =	vst v20  }
0x177: {  	v51 =	vor.u32 $0x3, v30;
	v52 =	vld.idx.msk [tilespmem:v39+s13+$0x0], $0xffff  }
0x178: {  	v53 =	vld.idx.msk [tilespmem:v40+s13+$0x0], $0xffff  }
0x179: {  	v25 =	vld.idx.msk [tilespmem:v25+s13+$0x0], $0xffff  }
0x17a: {  	v27 =	vadd.f32 v28, v27;
	v19 =	vmul.f32 v19, v13;
	v31 =	vld.idx.msk [tilespmem:v50+s13+$0x0], $0xffff  }
0x17b: {  	v15 =	vadd.f32 v15, v29;
	v18 =	vmul.f32 v18, v14;
	v17 =	vmul.f32 v17, v12;
	v24 =	vld.idx.msk [tilespmem:v24+s13+$0x0], $0xffff  }
0x17c: {  	v58 =	vadd.f32 v22, v27;
	v21 =	vmul.f32 v21, v13;
	v23 =	vmul.f32 v23, v14;
	v20 =	vld.idx.msk [tilespmem:v51+s13+$0x0], $0xffff  }
0x17d: {  	v18 =	vadd.f32 v18, v19;
	v55 =	vmul.f32 v52, v13;
	v56 =	vmul.f32 v53, v14  }
0x17e: {  	v60 =	vmul.f32 v16, v11;
	v54 =	vmul.f32 v25, v12;
	v21 =	vadd.f32 v23, v21  }
0x17f: {  	s31 =	sadd.s32 $0x1, s31;
	v17 =	vadd.f32 v17, v18;
	v59 =	vmul.f32 v31, v12;
	v13 =	vadd.f32 v56, v55  }
0x180: {  	p0 =	sne.s32 s31, $0xD;
	v62 =	vadd.f32 v26, v58;
	v57 =	vmul.f32 v24, v11;
	v21 =	vadd.f32 v54, v21  }
.Ltmp1:
0x181: {  	[tilespmem:s0+$0xFFFFFF38] =	vst v15;
	v63 =	vadd.f32 v60, v17;
	v11 =	vmul.f32 v20, v11;
	v12 =	vadd.f32 v59, v13;
	(pc) =	sbr.rel @p0 .LBB2_3-.Ltmp1, $4  }
0x182: {  	[tilespmem:s3+$0xFFFFFF38] =	vst v62;
	v61 =	vadd.f32 v57, v21  }
0x183: {  	[tilespmem:s7+$0xFFFFFF38] =	vst v63;
	v11 =	vadd.f32 v11, v12  }
0x184: {  	[tilespmem:s8+$0x258] =	vst v61  }
0x185: {  	s30 =	sadd.s32 $0x10, s30;
	[tilespmem:s8+$0xFFFFFF38] =	vst v11  }
0x186: {  	s0 =	smul.u32 $0x180, s28;
	_ =	sdelay $0x1  }
0x187: {  	v10 =	vor.u32 s0, v0;
	s2 =	sor.u32 $0x10, s0  }
0x188: {  	s3 =	sor.u32 $0x20, s0;
	[tilespmem:$0x19D40] =	vst v10;
	v10 =	vor.u32 s2, v0  }
0x189: {  	s6 =	sor.u32 $0x30, s0;
	[tilespmem:$0x19D50] =	vst v10;
	v10 =	vor.u32 s3, v0  }
0x18a: {  	s7 =	sor.u32 $0x40, s0;
	[tilespmem:$0x19D60] =	vst v10;
	v10 =	vor.u32 s6, v0  }
0x18b: {  	s8 =	sor.u32 $0x50, s0;
	[tilespmem:$0x19D70] =	vst v10;
	v10 =	vor.u32 s7, v0  }
0x18c: {  	s18 =	sor.u32 $0x60, s0;
	[tilespmem:$0x19D80] =	vst v10;
	v10 =	vor.u32 s8, v0  }
0x18d: {  	s19 =	sor.u32 $0x70, s0;
	[tilespmem:$0x19D90] =	vst v10;
	v10 =	vor.u32 s18, v0  }
0x18e: {  	s21 =	sadd.s32 $0x80, s0;
	[tilespmem:$0x19DA0] =	vst v10;
	v10 =	vor.u32 s19, v0  }
0x18f: {  	s22 =	sadd.s32 $0x90, s0;
	[tilespmem:$0x19DB0] =	vst v10;
	v10 =	vor.u32 s21, v0  }
0x190: {  	s23 =	sadd.s32 $0xA0, s0;
	[tilespmem:$0x19DC0] =	vst v10;
	v10 =	vor.u32 s22, v0  }
0x191: {  	s25 =	sadd.s32 $0xB0, s0;
	[tilespmem:$0x19DD0] =	vst v10;
	v10 =	vor.u32 s23, v0  }
0x192: {  	s28 =	sadd.s32 $0xC0, s0;
	[tilespmem:$0x19DE0] =	vst v10;
	v10 =	vor.u32 s25, v0  }
0x193: {  	s30 =	sadd.s32 $0xD0, s0;
	[tilespmem:$0x19DF0] =	vst v10;
	v10 =	vor.u32 s28, v0  }
0x194: {  	s31 =	sadd.s32 $0xE0, s0;
	[tilespmem:$0x19E00] =	vst v10;
	v10 =	vor.u32 s30, v0  }
0x195: {  	s3 =	sadd.s32 $0xF0, s0;
	[tilespmem:$0x19E10] =	vst v10;
	v10 =	vor.u32 s31, v0  }
0x196: {  	s6 =	sadd.s32 $0x100, s0;
	[tilespmem:$0x19E20] =	vst v10;
	v10 =	vor.u32 s3, v0  }
0x197: {  	s7 =	sadd.s32 $0x110, s0;
	[tilespmem:$0x19E30] =	vst v10;
	v10 =	vor.u32 s6, v0  }
0x198: {  	s8 =	sadd.s32 $0x120, s0;
	[tilespmem:$0x19E40] =	vst v10;
	v10 =	vor.u32 s7, v0  }
0x199: {  	s18 =	sadd.s32 $0x130, s0;
	[tilespmem:$0x19E50] =	vst v10;
	v10 =	vor.u32 s8, v0  }
0x19a: {  	s19 =	sadd.s32 $0x140, s0;
	[tilespmem:$0x19E60] =	vst v10;
	v10 =	vor.u32 s18, v0  }
0x19b: {  	s21 =	sadd.s32 $0x150, s0;
	[tilespmem:$0x19E70] =	vst v10;
	v10 =	vor.u32 s19, v0  }
0x19c: {  	s22 =	sadd.s32 $0x160, s0;
	[tilespmem:$0x19E80] =	vst v10;
	v10 =	vor.u32 s21, v0  }
0x19d: {  	s0 =	sadd.s32 $0x170, s0;
	[tilespmem:$0x19E90] =	vst v10;
	v10 =	vor.u32 s22, v0  }
0x19e: {  	[tilespmem:$0x19EA0] =	vst v10;
	v10 =	vor.u32 s0, v0  }
0x19f: {  	s23 =	simm.s32 $0x19D40;
	s25 =	simm.s32 $0x7140;
	[tilespmem:$0x19EB0] =	vst v10  }
0x1a0: {  	[hbm4b:s4+s17] =	stream.indirect.scatter [tilespmem:s25], [sflag:$0x2], $0xC4, s23, s17, $0xb8;
	[tilespmem:$0x19EC0] =	vst v63  }
0x1a1: {  	_ =	swait.ge [sflag:s20], $0x6200  }
0x1a2: {  	[sflag:s20] =	ssyncset.done $0x0  }
0x1a3: {  	s28 =	simm.s32 $0x19DC0;
	s30 =	simm.s32 $0xD540;
	[sflag:s20] =	ssyncadd.s32 $0xFFFF9E00  }
0x1a4: {  	[hbm4b:s4+s17] =	stream.indirect.scatter [tilespmem:s30], [sflag:$0x2], $0xC4, s28, s17, $0xb8;
	[tilespmem:$0x19EC0] =	vst v63  }
0x1a5: {  	s26 =	sadd.s32 $0x1, s26;
	_ =	swait.ge [sflag:s20], $0x6200  }
0x1a6: {  	p0 =	sne.s32 s26, $0x10;
	[sflag:s20] =	ssyncset.done $0x0  }
.Ltmp2:
0x1a7: {  	s31 =	simm.s32 $0x19E40;
	[sflag:s20] =	ssyncadd.s32 $0xFFFF9E00;
	(pc) =	sbr.rel @p0 .LBB2_2-.Ltmp2, $4  }
0x1a8: {  	[hbm4b:s4+s17] =	stream.indirect.scatter [tilespmem:s24], [sflag:$0x2], $0xC4, s31, s17, $0xb8;
	[tilespmem:$0x19EC0] =	vst v63  }
0x1a9: {  	_ =	swait.ge [sflag:s20], $0x6200  }
0x1aa: {  	[sflag:s20] =	ssyncset.done $0x0  }
0x1ab: {  	[sflag:s20] =	ssyncadd.s32 $0xFFFF9E00  }
0x1ac: {  	s2 =	rddreg [dreg:$0x5]  }
0x1ad: {  	s0 =	rddreg [dreg:$0x4];
	s2 =	sadd.s32 $0x1, s2  }
0x1ae: {  	p0 =	sne.s32 s2, s0  }
.Ltmp3:
0x1af: {  	_ = 	snop;
	(pc) =	sbr.rel @p0 .LBB2_1-.Ltmp3, $1  }
0x1b0: {  	_ =	sdelay $0x3  }
0x1b1: {  	_ =	sfence.sel $0x180000  }
0x1b2: {  	[bflag:$0x0] =	sbarrier.arrive $0xFFFF  }
0x1b3: {  	_ =	strace $0x90000047  }
0x1b4: {  	s0 =	stileid.u32;
	[bflag:$0x2] =	sbarrier.arrive $0xFFFF  }
0x1b5: {  	p0 =	sne.s32 s0, $0x0;
	s0 =	rddreg [dreg:$0x2]  }
0x1b6: {  	s0 =	sadd.s32 @!p0 $0x100000, s0  }
0x1b7: {  	[sflag:s0] =	ssyncadd.tile.s32 @!p0 $0x1;
	_ =	shalt  }
.Lfunc_end2:
_tile_overlayer_lowered:
.L_overlay_start_2:
0x1b8: {  	(tag) =	ssettag $0x2  }
0x1b9: {  	s0 =	rddreg [dreg:$0x0];
	s2 =	stileid.u32  }
0x1ba: {  	s1 =	rddreg [dreg:$0x1];
	p0 =	sne.s32 s2, $0x0  }
0x1bb: {  	s3 =	rddreg [dreg:$0x2];
	[bflag:$0x3] =	sbarrier.arrive $0xFFFF;
	s2 =	simm.s32 @!p0 $0x1C03  }
0x1bc: {  	[timem:s3], [sflag:s2] =	dma.local @!p0 [hbm:s0], s1  }
0x1bd: {  	s0 =	simm.s32 @!p0 $0x3  }
0x1be: {  	_ =	swait.ge @!p0 [sflag:s0], s1  }
0x1bf: {  	s1 =	ssub.s32 @!p0 $0x0, s1;
	[sflag:s0] =	ssyncset.done @!p0 $0x0  }
0x1c0: {  	[sflag:s0] =	ssyncadd.s32 @!p0 s1  }
0x1c1: {  	[bflag:$0x3] =	sbarrier.arrive $0xFFFF  }
0x1c2: {  	_ =	shalt  }

// kernel: sparse-core-data-format-call.cloned.1.call-start
scs
called_computation_lowered:
.L_overlay_start_0:
0x0: {  	s1 =	sld [smem:$0x3FD9]  }
0x1: {  	s2 =	sld [smem:$0x3FFE];
	_ =	sdelay $0x1  }
0x2: {  	s3 =	srdreg.scid  }
0x3: {  	s0 =	sand.u32 $0x1, s3  }
0x4: {  	s17 =	sshll.u32 s0, $0xA;
	s1 =	sadd.s32 s2, s1  }
0x5: {  	s1 =	sadd.s32 s1, s17  }
0x6: {  	[smem:$0x3FC6] =	sst s1  }
0x7: {  	_ = 	snop  }
0x8: {  	(tm) =	ssettm $0x1  }
0x9: {  	s18 =	sld [smem:$0x3FFB];
	_ =	sdelay $0x3  }
0xa: {  	_ =	strace s18  }
0xb: {  	s1 =	sld [smem:$0x3FFC];
	_ =	sdelay $0x3  }
0xc: {  	_ =	strace s1  }
0xd: {  	s1 =	sld [smem:$0x3FFD];
	_ =	sdelay $0x3  }
0xe: {  	_ =	strace s1  }
0xf: {  	_ =	strace $0x8FFFFFFF  }
0x10: {  	s19 =	sld [smem:$0x3FDB];
	_ =	sdelay $0x1  }
0x11: {  	s20 =	simm.s32 $_scs_section_size  }
0x12: {  	s4 =	simm.s32 $_size__tile_overlayer_lowered;
	s5 =	simm.s32 $_tile_overlayer_lowered  }
0x13: {  	s23 =	simm.s32 $0x1BFF;
	s22 =	sshll.u32 s5, $0x1;
	s1 =	sadd.s32 s20, s19  }
0x14: {  	s6 =	simm.s32 $0x0;
	s21 =	sshll.u32 s4, $0x1;
	s4 =	sadd.s32 s22, s1  }
0x15: {  	[timem:s6], [sflag:s23] =	dma.local [hbm:s4], s21  }
0x16: {  	_ =	swait.ge [sflag:s23], s21  }
0x17: {  	s2 =	ssub.s32 $0x0, s21;
	[sflag:s23] =	ssyncset.done $0x0  }
0x18: {  	[sflag:s23] =	ssyncadd.s32 s2;
	_ =	sdelay $0x1  }
0x19: {  	s24 =	simm.s32 $0x1B8B  }
0x1a: {  	_ =	swait.ge [sflag:s24], $0x1  }
0x1b: {  	[sflag:s24] =	ssyncset.done $0x0  }
0x1c: {  	s26 =	simm.s32 $0x1B8E;
	s25 =	sld [smem:$0x3FFE];
	[sflag:s24] =	ssyncadd.s32 $0xFFFFFFFF  }
0x1d: {  	s27 =	simm.s32 $execute0_lowered;
	[smem:$0x3FD2] =	sst s26  }
0x1e: {  	s4 =	sshll.u32 s27, $0x1;
	_ =	strace $0x80000049;
	[dreg:$0x1] =	wrdreg $0xFFFFFFFF  }
0x1f: {  	s28 =	simm.s32 $_size_execute0_lowered;
	s1 =	sadd.s32 s1, s4;
	[dreg:$0x0] =	wrdreg $0x0  }
0x20: {  	s4 =	sshll.u32 s28, $0x1;
	[dreg:$0x2] =	wrdreg s1  }
0x21: {  	[dreg:$0x3] =	wrdreg s4  }
0x22: {  	[dreg:$0x4] =	wrdreg $0xC0  }
0x23: {  	_ =	task [dreg:s6], $0x5FFFF  }
0x24: {  	[dreg:$0x1] =	wrdreg $0xFFFFFFFF  }
0x25: {  	[dreg:$0x0] =	wrdreg $0x60  }
0x26: {  	[dreg:$0x2] =	wrdreg s25  }
0x27: {  	[dreg:$0x3] =	wrdreg $0x9  }
0x28: {  	_ =	task.clear_ibuf [dreg:s6], $0x4FFFF;
	_ =	strace $0x90000049  }
0x29: {  	s29 =	simm.s32 $0x9;
	_ =	strace $0x8000004B  }
0x2a: {  	_ =	swait.ge [sflag:s29], $0x1  }
0x2b: {  	[sflag:s29] =	ssyncadd.s32 $0xFFFFFFFF  }
0x2c: {  	_ =	strace $0x9000004B  }
0x2d: {  	_ =	sfence  }
0x2e: {  	s30 =	sld [smem:$0x0];
	_ =	sdelay $0x2  }
0x2f: {  	s31 =	sshll.u32 s3, $0xD;
	s3 =	sshrl.u32 s3, $0x2  }
0x30: {  	s2 =	sand.u32 $0x4000, s31;
	s1 =	sadd.s32 s3, s30  }
0x31: {  	s0 =	sor.u32 s2, s0;
	s1 =	sshll.u32 s1, $0x11  }
0x32: {  	s0 =	sor.u32 s1, s0  }
0x33: {  	s0 =	sadd.s32 $0x8F2B, s0  }
0x34: {  	[sflag:s0] =	ssyncadd.remote.s32 $0x1  }
0x35: {  	_ =	sfence.sel $0xFFFF  }
0x36: {  	[dreg:$0x0] =	wrdreg $0xFFFFFFFF;
	(pc) =	sbr.abs _section_cstart, $3  }
0x37: {  	[dreg:$0x1] =	wrdreg $0xFFFFFFFF  }
0x38: {  	_ =	task.clear_ibuf [dreg:s6], $0x2FFFF;
	_ =	strace $0x9FFFFFFF  }
0x39: {  	(tm) =	ssettm $0x7FFFFFFF  }
tec
execute0_lowered:
.L_overlay_start_1:
0x0: {  	(tag) =	ssettag $0x1  }
0x1: {  	s0 =	srdreg.scid  }
0x2: {  	s5 =	rddreg [dreg:$0x0];
	s7 =	simm.s32 $0x1;
	s8 =	simm.s32 $0x2  }
0x3: {  	s15 =	simm.s32 $0x0;
	s14 =	simm.s32 $0x0;
	s1 =	sshll.u32 s0, $0x4  }
0x4: {  	s9 =	simm.s32 $0x0;
	s0 =	stileid.u32;
	s1 =	sand.u32 $0x10, s1  }
0x5: {  	s10 =	simm.s32 $0x0;
	s11 =	simm.s32 $0x0;
	s1 =	sor.u32 s0, s1  }
0x6: {  	s13 =	simm.s32 $0x0;
	s3 =	sadd.s32 $0x4B0A00, s5;
	s2 =	sshll.u32 s1, $0x7  }
0x7: {  	s5 =	sadd.s32 $0x800, s5;
	s1 =	rddreg [dreg:$0x1];
	s6 =	ssub.s32 $0x30000, s2  }
.Ltmp0:
0x8: {  	_ =	strace $0x8000004A;
	s4 =	sand.u32 $0xF80, s6;
	(pc) =	sbr.rel .LBB1_1-.Ltmp0, $4  }
0x9: {  	s12 =	smov.u32 s2;
	p0 =	sne.s32 s4, $0x0;
	s4 =	simm.s32 $0x1  }
0xa: {  	s6 =	sshrl.u32 s6, $0xC;
	s7 =	simm.s32 @!p0 $0x0;
	[sflag:s4] =	ssyncpa.u1 $0x0  }
0xb: {  	p0 =	por $0x0, $0x0;
	s7 =	sadd.s32 s7, s6;
	[sflag:s8] =	ssyncpa.u1 $0x0  }
0xc: {  	s8 =	simm.s32 $0x180000;
	s6 =	sshll.u32 s7, $0x1;
	s7 =	sshllo.u32 s7, $0x1  }
.LBB1_4:
0xd: {  	s21 =	sshrl.u32 s9, $0x3;
	s22 =	sshll.u32 s10, $0x3  }
0xe: {  	s20 =	sshra.s32 s20, $0x2;
	s23 =	sshll.u32 s9, $0x7;
	s24 =	sand.u32 $0x7F, s10  }
0xf: {  	p1 =	sgt.s32 s9, $0x48;
	s28 =	sshra.s32 s9, $0x1F;
	s21 =	smul.u32 $0x180000, s21  }
0x10: {  	s29 =	sshra.s32 s10, $0x1F;
	s22 =	sand.u32 $0xFFFFFC00, s22;
	s25 =	sand.u32 $0x380, s23  }
0x11: {  	s19 =	sadd.s32 s20, s19;
	s26 =	sor.u32 s24, s25;
	s21 =	sadd.s32 s22, s21  }
0x12: {  	v5 =	vld [tilespmem:s17+$0xFFFFFFD0];
	s27 =	smulhi.u32 $0xAAAAAAAB, s21;
	s20 =	sor.u32 s21, s26;
	s21 =	smov.u32 s9  }
0x13: {  	[tilespmem:s18+$0x2040 ss:$0x81] =	vst.msk $0xffff, v4;
	v58 =	vld [tilespmem:s17+$0xFFFFFFE0];
	s23 =	sand.u32 s28, s9;
	s24 =	sand.u32 s29, s10;
	s21 =	simm.s32 @!p1 $0x48  }
0x14: {  	[tilespmem:s18+$0x2850 ss:$0x81] =	vst.msk $0xffff, v3;
	p1 =	sgt.s32 s10, $0x2FF80;
	s30 =	smulhi.u32 $0xAAAAAAAB, s20;
	s22 =	sshrl.u32 s27, $0x11  }
0x15: {  	v59 =	vld [tilespmem:s17+$0xFFFFFFF0];
	[tilespmem:s18+$0x3060 ss:$0x81] =	vst.msk $0xffff, v2;
	s21 =	ssub.s32 s21, s23;
	s23 =	smov.u32 s10;
	s25 =	smul.u32 $0x147B, s22  }
0x16: {  	v60 =	vld [tilespmem:s17+$0x0];
	[tilespmem:s18+$0x0 ss:$0x81] =	vst.msk $0xffff, v0;
	s23 =	simm.s32 @!p1 $0x2FF80;
	s31 =	sadd.s32 $0xFFFFFFB8, s21;
	s18 =	sshrl.u32 s30, $0x11  }
0x17: {  	v61 =	vld [tilespmem:s17+$0x10];
	[tilespmem:s19+$0x3870 ss:$0x81] =	vst.msk $0xffff, v1;
	s23 =	ssub.s32 s23, s24;
	s28 =	smul.u32 $0x30000, s18;
	s25 =	sshrl.u32 s25, $0x14  }
0x18: {  	v62 =	vld [tilespmem:s17+$0x20];
	[tilespmem:s19+$0x810 ss:$0x81] =	vst.msk $0xffff, v5;
	p1 =	sgt.s32 s31, $0x7F;
	s26 =	sadd.s32 $0xFFFD0080, s23;
	s27 =	smul.u32 $0xC8, s25  }
0x19: {  	v63 =	vld [tilespmem:s17+$0xFFFFFFC0];
	[tilespmem:s19+$0x1020 ss:$0x81] =	vst.msk $0xffff, v58;
	s18 =	ssub.s32 $0xC8, s21;
	s21 =	ssub.s32 $0x30000, s23;
	p2 =	sgt.s32 s26, $0x7F  }
0x1a: {  	[tilespmem:s19+$0x1830 ss:$0x81] =	vst.msk $0xffff, v59;
	s18 =	simm.s32 @p1 $0x0;
	s21 =	simm.s32 @p2 $0x0;
	s22 =	ssub.s32 s22, s27  }
0x1b: {  	[tilespmem:s19+$0x2040 ss:$0x81] =	vst.msk $0xffff, v60;
	s17 =	ssub.s32 s20, s28;
	s18 =	smul.u32 s21, s18;
	s29 =	sand.u32 $0xFFFF, s22  }
0x1c: {  	[tilespmem:s19+$0x2850 ss:$0x81] =	vst.msk $0xffff, v61;
	s30 =	sshrl.u32 s17, $0x3;
	s17 =	sand.u32 $0x7, s17;
	s20 =	smul.u32 $0x6000, s29  }
0x1d: {  	[tilespmem:s19+$0x3060 ss:$0x81] =	vst.msk $0xffff, v62;
	s21 =	sadd.s32 s5, s30;
	s17 =	sshll.u32 s17, $0x12  }
0x1e: {  	[tilespmem:s19+$0x0 ss:$0x81] =	vst.msk $0xffff, v63;
	s17 =	sor.u32 $0x400, s17;
	s18 =	sand.u32 $0x3FFFFFFF, s18;
	s31 =	sadd.s32 s20, s21  }
0x1f: {  	[hbm4b:s31+s17] =	stream.strided.scatter [tilespmem:s16], [sflag:$0x2], s18, s8, s17, $0x20;
	[tilespmem:$0x10100] =	vst v63  }
.LBB1_5:
0x20: {  	p1 =	slt.u32 s13, $0x2  }
0x21: {  	s17 =	smov.u32 s15;
	p2 =	sgt.s32 @!p1 s15, $0x48;
	s16 =	sshra.s32 @!p1 s15, $0x1F  }
0x22: {  	p3 =	sgt.s32 @!p1 s14, $0x2FF80;
	s18 =	sshra.s32 @!p1 s14, $0x1F;
	p2 =	por !p2, p1  }
0x23: {  	s15 =	sand.u32 @!p1 s16, s15;
	p3 =	por !p3, p1;
	s16 =	smov.u32 s14  }
0x24: {  	s14 =	sand.u32 @!p1 s18, s14;
	s17 =	simm.s32 @p2 $0x48;
	s16 =	simm.s32 @p3 $0x2FF80  }
0x25: {  	s15 =	ssub.s32 @!p1 s17, s15;
	s14 =	ssub.s32 @!p1 s16, s14  }
0x26: {  	s18 =	smov.u32 s12;
	s16 =	sadd.s32 @!p1 $0xFFFFFFB8, s15;
	s17 =	sadd.s32 @!p1 $0xFFFD0080, s14  }
0x27: {  	s15 =	ssub.s32 @!p1 $0xC8, s15;
	p2 =	sgt.s32 @!p1 s16, $0x7F;
	p3 =	sgt.s32 @!p1 s17, $0x7F  }
0x28: {  	s14 =	ssub.s32 @!p1 $0x30000, s14;
	p2 =	por !p2, p1;
	p3 =	por !p3, p1  }
0x29: {  	s16 =	sadd.s32 $0x80, s11;
	s15 =	simm.s32 @!p2 $0x0;
	s14 =	simm.s32 @!p3 $0x0  }
0x2a: {  	p2 =	sgt.s32 s16, $0xC3;
	s14 =	smul.u32 @!p1 s14, s15;
	s15 =	sadd.s32 $0x1000, s12  }
0x2b: {  	s18 =	smov.u32 @p2 s15  }
0x2c: {  	s16 =	simm.s32 @p2 $0x0;
	p2 =	sgt.s32 s18, $0x2FFFF  }
0x2d: {  	s18 =	smov.u32 @p2 s2;
	p2 =	sne.s32 s13, s7  }
.Ltmp1:
0x2e: {  	p0 =	por !p0, !p0;
	s17 =	simm.s32 @!p1 $0x2;
	(pc) =	sbr.rel @!p2 .LBB1_6-.Ltmp1, $4  }
0x2f: {  	s15 =	smov.u32 s9;
	s9 =	smov.u32 s11;
	s14 =	sand.u32 @!p1 $0x3FFFFFFF, s14  }
0x30: {  	s11 =	smov.u32 s16;
	_ =	swait.ge @!p1 [sflag:s17], s14;
	s19 =	ssub.s32 @!p1 $0x0, s14  }
0x31: {  	s14 =	smov.u32 s10;
	s13 =	sadd.s32 $0x1, s13;
	[sflag:s17] =	ssyncset.done @!p1 $0x0  }
0x32: {  	s10 =	smov.u32 s12;
	s12 =	smov.u32 s18;
	[sflag:s17] =	ssyncadd.s32 @!p1 s19  }
.LBB1_1:
0x33: {  	p1 =	sge.u32 s13, s6  }
0x34: {  	s16 =	sshll.u32 @!p1 s12, $0x8;
	s17 =	sshll.u32 @!p1 s11, $0x3  }
0x35: {  	s18 =	sshll.u32 @!p1 s12, $0x7;
	s16 =	sand.u32 @!p1 $0xFFFFF800, s16;
	s17 =	sand.u32 @!p1 $0xFFFFFC00, s17  }
0x36: {  	s16 =	sadd.s32 @!p1 s16, s17;
	s17 =	sand.u32 @!p1 $0x300, s18  }
0x37: {  	s16 =	sor.u32 @!p1 s17, s16  }
0x38: {  	s16 =	sshrl.u32 @!p1 s16, $0x8  }
0x39: {  	s17 =	smulhi.u32 @!p1 $0xAAAAAB, s16;
	_ =	sdelay $0x1  }
0x3a: {  	s19 =	sxor.u32 @!p1 $0xFFFFFFFF, s13;
	s20 =	sand.u32 @!p1 $0x78, s11;
	s17 =	sshrl.u32 @!p1 s17, $0x9  }
0x3b: {  	s19 =	sshll.u32 @!p1 s19, $0xE;
	s18 =	sand.u32 @!p1 $0x80, s18;
	s17 =	smul.u32 @!p1 $0x30000, s17  }
0x3c: {  	s31 =	sadd.s32 $0xFFFFFFFF, s13;
	s19 =	sand.u32 @!p1 $0x4000, s19;
	s18 =	sor.u32 @!p1 s20, s18  }
0x3d: {  	s16 =	ssub.s32 @!p1 s16, s17;
	s17 =	sshrl.u32 @!p1 s18, $0x3;
	s18 =	sand.u32 @!p1 $0x7, s11  }
0x3e: {  	s16 =	sshll.u32 @!p1 s16, $0x5;
	s17 =	sadd.s32 @!p1 s3, s17;
	s18 =	sshll.u32 @!p1 s18, $0x12  }
0x3f: {  	s16 =	sadd.s32 @!p1 s16, s17;
	s17 =	sor.u32 @!p1 $0x400, s18;
	s18 =	simm.s32 @!p1 $0x800  }
0x40: {  	[tilespmem:s19], [sflag:$0x1] =	stream.strided.gather @!p1 [hbm4b:s16+s17], $0x4000, s18, s17, $0x38;
	[tilespmem:$0x10100] =	vst v63  }
0x41: {  	p1 =	sge.u32 s31, s6  }
.Ltmp2:
0x42: {  	_ = 	snop;
	(pc) =	sbr.rel @p1 .LBB1_5-.Ltmp2, $1  }
0x43: {  	_ =	sdelay $0x3  }
0x44: {  	s16 =	simm.s32 $0x1  }
0x45: {  	_ =	swait.ge [sflag:s4], $0x4000;
	s16 =	simm.s32 @!p0 $0x0  }
0x46: {  	[sflag:s4] =	ssyncset.done $0x0;
	s17 =	sshll.u32 s16, $0xE  }
0x47: {  	[sflag:s4] =	ssyncadd.s32 $0xFFFFC000;
	s17 =	sor.u32 $0x40, s17  }
0x48: {  	s16 =	smul.u32 $0x10200, s16;
	v0 =	vld [tilespmem:s17+$0x30]  }
0x49: {  	v1 =	vld [tilespmem:s17+$0xFFFFFFD0]  }
0x4a: {  	s16 =	sshrl.u32 s16, $0x2;
	v5 =	vld [tilespmem:s17+$0xFFFFFFE0]  }
0x4b: {  	v6 =	vld [tilespmem:s17+$0xFFFFFFF0];
	s19 =	sor.u32 $0x8000, s16  }
0x4c: {  	s31 =	sand.u32 $0x1, s13;
	v4 =	vld [tilespmem:s17+$0x0];
	s18 =	sadd.s32 $0x0, s19  }
0x4d: {  	v3 =	vld [tilespmem:s17+$0x10];
	s16 =	smul.u32 $0x10200, s31;
	[tilespmem:s18+$0x3870 ss:$0x81] =	vst.msk $0xffff, v0  }
0x4e: {  	v2 =	vld [tilespmem:s17+$0x20];
	[tilespmem:s18+$0x810 ss:$0x81] =	vst.msk $0xffff, v1  }
0x4f: {  	s16 =	sshrl.u32 s16, $0x2;
	v0 =	vld [tilespmem:s17+$0xFFFFFFC0];
	[tilespmem:s18+$0x1020 ss:$0x81] =	vst.msk $0xffff, v5;
	s17 =	sadd.s32 $0x80, s17  }
0x50: {  	s20 =	simm.s32 $0x4;
	s21 =	simm.s32 $0x8;
	s16 =	sor.u32 $0x8000, s16;
	[tilespmem:s18+$0x1830 ss:$0x81] =	vst.msk $0xffff, v6;
	v1 =	vld [tilespmem:s17+$0x30]  }
.LBB1_3:
0x51: {  	p1 =	sne.s32 s21, $0x1FC;
	v5 =	vld [tilespmem:s17+$0xFFFFFFD0];
	[tilespmem:s18+$0x2040 ss:$0x81] =	vst.msk $0xffff, v4  }
0x52: {  	v6 =	vld [tilespmem:s17+$0xFFFFFFE0];
	[tilespmem:s18+$0x2850 ss:$0x81] =	vst.msk $0xffff, v3  }
0x53: {  	s22 =	sshra.s32 s20, $0x2;
	s20 =	smov.u32 s21;
	v7 =	vld [tilespmem:s17+$0xFFFFFFF0];
	[tilespmem:s18+$0x3060 ss:$0x81] =	vst.msk $0xffff, v2  }
.Ltmp3:
0x54: {  	v4 =	vld [tilespmem:s17+$0x0];
	[tilespmem:s18+$0x0 ss:$0x81] =	vst.msk $0xffff, v0;
	s18 =	sadd.s32 s22, s19;
	(pc) =	sbr.rel @p1 .LBB1_3-.Ltmp3, $4  }
0x55: {  	v3 =	vld [tilespmem:s17+$0x10];
	[tilespmem:s18+$0x3870 ss:$0x81] =	vst.msk $0xffff, v1  }
0x56: {  	[tilespmem:s18+$0x810 ss:$0x81] =	vst.msk $0xffff, v5;
	v2 =	vld [tilespmem:s17+$0x20]  }
0x57: {  	v0 =	vld [tilespmem:s17+$0xFFFFFFC0];
	[tilespmem:s18+$0x1020 ss:$0x81] =	vst.msk $0xffff, v6;
	s17 =	sadd.s32 $0x80, s17  }
0x58: {  	s21 =	sadd.s32 $0x4, s21;
	v1 =	vld [tilespmem:s17+$0x30];
	[tilespmem:s18+$0x1830 ss:$0x81] =	vst.msk $0xffff, v7  }
.Ltmp4:
0x59: {  	_ = 	snop;
	(pc) =	sbr.rel .LBB1_4-.Ltmp4, $1  }
0x5a: {  	_ =	sdelay $0x3  }
.LBB1_6:
0x5b: {  	_ =	sfence.sel $0x180000  }
0x5c: {  	s2 =	simm.s32 $0x1;
	[bflag:$0x0] =	sbarrier.arrive $0xFFFF  }
0x5d: {  	s31 =	simm.s32 $0x2;
	[sflag:s2] =	ssyncpa.u1 $0x1  }
0x5e: {  	[sflag:s31] =	ssyncpa.u1 $0x1  }
0x5f: {  	p0 =	sne.s32 s0, $0x0;
	_ =	strace $0x9000004A  }
0x60: {  	s0 =	sadd.s32 @!p0 $0x100000, s1;
	[bflag:$0x2] =	sbarrier.arrive $0xFFFF  }
0x61: {  	[sflag:s0] =	ssyncadd.tile.s32 @!p0 $0x1;
	_ =	shalt  }
.Lfunc_end1:
_tile_overlayer_lowered:
.L_overlay_start_2:
0x62: {  	(tag) =	ssettag $0x2  }
0x63: {  	s0 =	rddreg [dreg:$0x0];
	s2 =	stileid.u32  }
0x64: {  	s1 =	rddreg [dreg:$0x1];
	p0 =	sne.s32 s2, $0x0  }
0x65: {  	s3 =	rddreg [dreg:$0x2];
	[bflag:$0x3] =	sbarrier.arrive $0xFFFF;
	s2 =	simm.s32 @!p0 $0x1C01  }
0x66: {  	[timem:s3], [sflag:s2] =	dma.local @!p0 [hbm:s0], s1  }
0x67: {  	s0 =	simm.s32 @!p0 $0x1  }
0x68: {  	_ =	swait.ge @!p0 [sflag:s0], s1  }
0x69: {  	s1 =	ssub.s32 @!p0 $0x0, s1;
	[sflag:s0] =	ssyncset.done @!p0 $0x0  }
0x6a: {  	[sflag:s0] =	ssyncadd.s32 @!p0 s1  }
0x6b: {  	[bflag:$0x3] =	sbarrier.arrive $0xFFFF  }
0x6c: {  	_ =	shalt  }

</sc_bundles>
